<compile_context>
chip_gen: v7x
topology: tpu7x:2x2x1
jax: 0.10.2.dev20260603
libtpu: 0.0.44.dev20260713+nightly
codegen_flags: <defaults>
</compile_context>

<pallas_src>
import functools

import jax
import jax.numpy as jnp
from jax import lax
from jax.experimental import pallas as pl
from jax.experimental.pallas import tpu as pltpu
from jax.experimental.pallas import tpu_sc as plsc

NC = 2
NS = 16
L = 16
NW = NC * NS
NBUF = 2


def _eproj_body(eat_ref, w_ref, b_ref, out_ref):
    out_ref[...] = (
        lax.dot_general(eat_ref[...], w_ref[...], (((0,), (0,)), ((), ())),
                        preferred_element_type=jnp.float32)
        + b_ref[...][None, :]
    )


def _eproj(edge_attr_t, W_edge, b_edge, block_e=6400):
    DE, E = edge_attr_t.shape
    D = W_edge.shape[1]
    return pl.pallas_call(
        _eproj_body,
        grid=(E // block_e,),
        in_specs=[
            pl.BlockSpec((DE, block_e), lambda i: (0, i)),
            pl.BlockSpec((DE, D), lambda i: (0, 0)),
            pl.BlockSpec((D,), lambda i: (0,)),
        ],
        out_specs=pl.BlockSpec((block_e, D), lambda i: (i, 0)),
        out_shape=jax.ShapeDtypeStruct((E, D), jnp.float32),
    )(edge_attr_t, W_edge, b_edge)


def _sc_body(NPAD, E, D, K, x_hbm, idx_hbm, ep_hbm, zeros_hbm,
             out0_hbm, out1_hbm,
             aggr_sp, idx_v, ep_v, xr_v, g_sem, e_sem):
    c = lax.axis_index("c")
    s = lax.axis_index("s")
    rows_per_tile = NPAD // NS
    r0 = pl.multiple_of(s * rows_per_tile, 8)
    pltpu.sync_copy(zeros_hbm, aggr_sp.at[pl.ds(r0, rows_per_tile)])
    plsc.subcore_barrier()

    epw = E // NW
    wid = c * NS + s
    chunks_w = epw // K
    chunk0 = wid * chunks_w

    def issue_loads(gc, b):
        pltpu.sync_copy(idx_hbm.at[gc], idx_v.at[b])
        base = pl.multiple_of(gc * K, 8)
        pltpu.async_copy(x_hbm.at[idx_v.at[b].at[0]], xr_v.at[b], g_sem.at[b])
        pltpu.async_copy(ep_hbm.at[pl.ds(base, K)], ep_v.at[b], e_sem.at[b])

    for b in range(min(NBUF, chunks_w)):
        issue_loads(chunk0 + b, b)

    nsteps = (chunks_w + NBUF - 1) // NBUF

    def step(si, carry):
        for b in range(NBUF):
            lc = si * NBUF + b

            @pl.when(lc < chunks_w)
            def _():
                gc = chunk0 + lc
                pltpu.make_async_copy(
                    x_hbm.at[idx_v.at[b].at[0]], xr_v.at[b],
                    g_sem.at[b]).wait()
                pltpu.make_async_copy(
                    ep_hbm.at[pl.ds(0, K)], ep_v.at[b], e_sem.at[b]).wait()

                @plsc.parallel_loop(0, K, 1, unroll=4)
                def row(e):
                    for g in range(D // L):
                        sl = pl.ds(g * L, L)
                        ep_v[b, e, sl] = jnp.maximum(
                            xr_v[b, e, sl] + ep_v[b, e, sl], 0.0)

                pltpu.sync_copy(ep_v.at[b], aggr_sp.at[idx_v.at[b].at[1]],
                                add=True)

                @pl.when(lc + NBUF < chunks_w)
                def _():
                    issue_loads(gc + NBUF, b)
        return carry

    lax.fori_loop(0, nsteps, step, 0, unroll=False)
    plsc.subcore_barrier()
    @pl.when(c == 0)
    def _():
        pltpu.sync_copy(aggr_sp.at[pl.ds(r0, rows_per_tile)],
                        out0_hbm.at[pl.ds(r0, rows_per_tile)])

    @pl.when(c == 1)
    def _():
        pltpu.sync_copy(aggr_sp.at[pl.ds(r0, rows_per_tile)],
                        out1_hbm.at[pl.ds(r0, rows_per_tile)])


def _sc_messages(x, idx_packed, e_proj, zeros, K):
    NPAD = zeros.shape[0] * NS
    D = x.shape[1]
    E = idx_packed.shape[0] * K
    mesh = plsc.VectorSubcoreMesh(core_axis_name="c", subcore_axis_name="s")
    out_t = (jax.ShapeDtypeStruct((NPAD, D), jnp.float32),
             jax.ShapeDtypeStruct((NPAD, D), jnp.float32))
    kern = pl.kernel(
        functools.partial(_sc_body, NPAD, E, D, K),
        out_type=out_t,
        mesh=mesh,
        scratch_types=[
            pltpu.VMEM_SHARED((NPAD, D), jnp.float32),
            pltpu.VMEM((NBUF, 2, K), jnp.int32),
            pltpu.VMEM((NBUF, K, D), jnp.float32),
            pltpu.VMEM((NBUF, K, D), jnp.float32),
            pltpu.SemaphoreType.DMA((NBUF,)),
            pltpu.SemaphoreType.DMA((NBUF,)),
        ],
    )
    return kern(x, idx_packed, e_proj, zeros)


def _mlp_body(x_ref, a0_ref, a1_ref, w1_ref, b1_ref, w2_ref, b2_ref, y_ref):
    out = x_ref[...] + a0_ref[...] + a1_ref[...]
    h = jnp.maximum(
        jnp.dot(out, w1_ref[...], preferred_element_type=jnp.float32)
        + b1_ref[...][None, :], 0.0)
    y_ref[...] = (
        jnp.dot(h, w2_ref[...], preferred_element_type=jnp.float32)
        + b2_ref[...][None, :])


def _mlp(x, a0, a1, W1, b1, W2, b2, block_n=2000):
    N, D = x.shape
    return pl.pallas_call(
        _mlp_body,
        grid=(N // block_n,),
        in_specs=[
            pl.BlockSpec((block_n, D), lambda i: (i, 0)),
            pl.BlockSpec((block_n, D), lambda i: (i, 0)),
            pl.BlockSpec((block_n, D), lambda i: (i, 0)),
            pl.BlockSpec((D, D), lambda i: (0, 0)),
            pl.BlockSpec((D,), lambda i: (0,)),
            pl.BlockSpec((D, D), lambda i: (0, 0)),
            pl.BlockSpec((D,), lambda i: (0,)),
        ],
        out_specs=pl.BlockSpec((block_n, D), lambda i: (i, 0)),
        out_shape=jax.ShapeDtypeStruct((N, D), jnp.float32),
    )(x, a0, a1, W1, b1, W2, b2)


def kernel(x, edge_index, batch, ptr, edge_attr, W_edge, b_edge, W1, b1, W2, b2):
    N, D = x.shape
    E = edge_index.shape[1]
    K = 80
    idx_packed = jnp.stack(
        [edge_index[0].reshape(E // K, K), edge_index[1].reshape(E // K, K)],
        axis=1)
    e_proj = _eproj(edge_attr.T, W_edge, b_edge)
    npad = ((N + NS * 8 - 1) // (NS * 8)) * (NS * 8)
    zeros = jnp.zeros((npad // NS, D), jnp.float32)
    a0, a1 = _sc_messages(x, idx_packed, e_proj, zeros, K)
    y = _mlp(x, a0, a1, W1, b1, W2, b2)
    return y, batch

# --- scband reference (transcript-rebuilt; emitter-appended) ---
"""Pipeline reference for scband-gnn-signal-amplification-ver1-72954314490029 (READ-ONLY COPY).

The authoritative reference and input builder live on the scoring server;
editing this copy changes nothing except your own understanding.
"""

import jax, jax.numpy as jnp
import numpy as np

N = 10000
E = 320000
D = 128
DE = 16


def setup_inputs(seed: int = 0) -> dict:
    key = jax.random.key(seed)
    ks = jax.random.split(key, 10)
    x = jax.random.normal(ks[0], (N, D), dtype=jnp.float32)
    edge_index = jax.random.randint(ks[1], (2, E), 0, N, dtype=jnp.int32)
    edge_attr = jax.random.normal(ks[2], (E, DE), dtype=jnp.float32)
    batch = jnp.zeros((N,), dtype=jnp.int32)
    ptr = jnp.array([0, N], dtype=jnp.int32)
    # learned params: edge feature projection (edge_dim -> d_feat) and the GIN MLP h_Theta (2-layer, D->D->D)
    W_edge = jax.random.normal(ks[3], (DE, D), dtype=jnp.float32) * (1.0 / np.sqrt(DE))
    b_edge = jnp.zeros((D,), dtype=jnp.float32)
    W1 = jax.random.normal(ks[4], (D, D), dtype=jnp.float32) * (1.0 / np.sqrt(D))
    b1 = jnp.zeros((D,), dtype=jnp.float32)
    W2 = jax.random.normal(ks[5], (D, D), dtype=jnp.float32) * (1.0 / np.sqrt(D))
    b2 = jnp.zeros((D,), dtype=jnp.float32)
    return {"x": x, "edge_index": edge_index, "batch": batch, "ptr": ptr,
            "edge_attr": edge_attr, "W_edge": W_edge, "b_edge": b_edge,
            "W1": W1, "b1": b1, "W2": W2, "b2": b2}


def reference(x, edge_index, batch, ptr, edge_attr, W_edge, b_edge, W1, b1, W2, b2):
    # GINE-style signal-amplification conv:
    # out_i = h_Theta( (1 + eps) * x_i + sum_{j in N(i)} ReLU( x_j + lin_edge(e_{j,i}) ) )
    eps = 0.0  # train_eps=False default
    src = edge_index[0]
    dst = edge_index[1]
    e_proj = edge_attr @ W_edge + b_edge            # [E, D]
    x_j = jnp.take(x, src, axis=0)                  # gather source node features [E, D]
    msg = jax.nn.relu(x_j + e_proj)                 # message [E, D]
    aggr = jax.ops.segment_sum(msg, dst, num_segments=x.shape[0])  # scatter-add to dst [N, D]
    out = (1.0 + eps) * x + aggr
    h = jax.nn.relu(out @ W1 + b1)
    y = h @ W2 + b2                                 # nn(out)
    return y, batch

if __name__ == "__main__":
    import jax
    _d = setup_inputs()
    print(jax.jit(kernel)(*tuple(_d.values())))

</pallas_src>

<mosaic_0001>
#map = affine_map<(d0, d1) -> (0, 0)>
#map1 = affine_map<(d0, d1) -> (0, 0, 0)>
module attributes {stable_mosaic.version = 14 : i64} {
  func.func @_sc_body(%arg0: i32, %arg1: i32, %arg2: memref<10000x128xf32, #tpu.memory_space<hbm>>, %arg3: memref<4000x2x80xi32, #tpu.memory_space<hbm>>, %arg4: memref<320000x128xf32, #tpu.memory_space<hbm>>, %arg5: memref<632x128xf32, #tpu.memory_space<hbm>>, %arg6: memref<10112x128xf32, #tpu.memory_space<hbm>>, %arg7: memref<10112x128xf32, #tpu.memory_space<hbm>>, %arg8: memref<10112x128xf32, #tpu.memory_space<vmem_shared>>, %arg9: memref<2x2x80xi32, #tpu.memory_space<vmem>>, %arg10: memref<2x80x128xf32, #tpu.memory_space<vmem>>, %arg11: memref<2x80x128xf32, #tpu.memory_space<vmem>>, %arg12: memref<2x!tpu.dma_semaphore, #tpu.memory_space<semaphore_mem>>, %arg13: memref<2x!tpu.dma_semaphore, #tpu.memory_space<semaphore_mem>>) attributes {dimension_semantics = [#tpu.dimension_semantics<core_parallel>, #tpu.dimension_semantics<subcore_parallel>], iteration_bounds = array<i64: 2, 16>, scalar_prefetch = 0 : i64, scratch_operands = 6 : i64, tpu.core_type = #tpu.core_type<sc_vector_subcore>, window_params = [{transform_indices = #map}, {transform_indices = #map1}, {transform_indices = #map}, {transform_indices = #map}, {transform_indices = #map}, {transform_indices = #map}]} {
    %mul3A = arith.constant 632 : i32
    %mul3A_0 = arith.muli %arg1, %mul3A : i32
    %multiple_of3A = tpu.assume_multiple %mul3A_0, 8 : i32
    "tpu.region"() ({
      %run_scoped3A_100 = tpu.sem_alloc : memref<!tpu.dma_semaphore, #tpu.memory_space<semaphore_mem>>
      %dma_start3A_101 = arith.constant 0 : i32
      %dma_start3A_102 = tpu.memref_slice %arg8[%multiple_of3A, %dma_start3A_101] : memref<10112x128xf32, #tpu.memory_space<vmem_shared>> -> memref<632x128xf32, #tpu.memory_space<vmem_shared>>
      tpu.enqueue_dma source(%arg5 : memref<632x128xf32, #tpu.memory_space<hbm>>) target(%dma_start3A_102 : memref<632x128xf32, #tpu.memory_space<vmem_shared>>) target_semaphore(%run_scoped3A_100 : memref<!tpu.dma_semaphore, #tpu.memory_space<semaphore_mem>>)
      %dma_wait3A = arith.constant 0 : i32
      %dma_wait3A_103 = tpu.memref_slice %arg8[%multiple_of3A, %dma_wait3A] : memref<10112x128xf32, #tpu.memory_space<vmem_shared>> -> memref<632x128xf32, #tpu.memory_space<vmem_shared>>
      tpu.wait_dma2 semaphore(%run_scoped3A_100 : memref<!tpu.dma_semaphore, #tpu.memory_space<semaphore_mem>>) src(%arg5 : memref<632x128xf32, #tpu.memory_space<hbm>>) dst(%dma_wait3A_103 : memref<632x128xf32, #tpu.memory_space<vmem_shared>>)
      tpu.yield
    }) : () -> ()
    %barrier3A = arith.constant 0 : index
    tpu.barrier barrier_id(%barrier3A)
    %mul3A_1 = arith.constant 16 : i32
    %mul3A_2 = arith.muli %arg0, %mul3A_1 : i32
    %add3A = arith.addi %mul3A_2, %arg1 : i32
    %mul3A_3 = arith.constant 125 : i32
    %mul3A_4 = arith.muli %add3A, %mul3A_3 : i32
    %add3A_5 = arith.constant 0 : i32
    %add3A_6 = arith.addi %mul3A_4, %add3A_5 : i32
    %run_scoped3A = arith.constant 0 : i32
    "tpu.region"() ({
      %run_scoped3A_100 = tpu.sem_alloc : memref<!tpu.dma_semaphore, #tpu.memory_space<semaphore_mem>>
      %dma_start3A_101 = arith.constant 0 : i32
      %dma_start3A_102 = arith.constant 0 : i32
      %dma_start3A_103 = tpu.memref_slice %arg9[%run_scoped3A, %dma_start3A_101, %dma_start3A_102] : memref<2x2x80xi32, #tpu.memory_space<vmem>> -> memref<1x2x80xi32, #tpu.memory_space<vmem>>
      %dma_start3A_104 = tpu.memref_squeeze %dma_start3A_103 : memref<1x2x80xi32, #tpu.memory_space<vmem>> -> memref<2x80xi32, #tpu.memory_space<vmem>>
      %dma_start3A_105 = arith.constant 0 : i32
      %dma_start3A_106 = arith.constant 0 : i32
      %dma_start3A_107 = tpu.memref_slice %arg3[%add3A_6, %dma_start3A_105, %dma_start3A_106] : memref<4000x2x80xi32, #tpu.memory_space<hbm>> -> memref<1x2x80xi32, #tpu.memory_space<hbm>>
      %dma_start3A_108 = tpu.memref_squeeze %dma_start3A_107 : memref<1x2x80xi32, #tpu.memory_space<hbm>> -> memref<2x80xi32, #tpu.memory_space<hbm>>
      %dma_start3A_109 = arith.constant 0 : i32
      %dma_start3A_110 = arith.constant 0 : i32
      %dma_start3A_111 = tpu.memref_slice %arg9[%run_scoped3A, %dma_start3A_109, %dma_start3A_110] : memref<2x2x80xi32, #tpu.memory_space<vmem>> -> memref<1x2x80xi32, #tpu.memory_space<vmem>>
      %dma_start3A_112 = tpu.memref_squeeze %dma_start3A_111 : memref<1x2x80xi32, #tpu.memory_space<vmem>> -> memref<2x80xi32, #tpu.memory_space<vmem>>
      %dma_start3A_113 = arith.constant 0 : i32
      %dma_start3A_114 = arith.constant 0 : i32
      %dma_start3A_115 = tpu.memref_slice %arg3[%add3A_6, %dma_start3A_113, %dma_start3A_114] : memref<4000x2x80xi32, #tpu.memory_space<hbm>> -> memref<1x2x80xi32, #tpu.memory_space<hbm>>
      %dma_start3A_116 = tpu.memref_squeeze %dma_start3A_115 : memref<1x2x80xi32, #tpu.memory_space<hbm>> -> memref<2x80xi32, #tpu.memory_space<hbm>>
      tpu.enqueue_dma source(%dma_start3A_116 : memref<2x80xi32, #tpu.memory_space<hbm>>) target(%dma_start3A_112 : memref<2x80xi32, #tpu.memory_space<vmem>>) target_semaphore(%run_scoped3A_100 : memref<!tpu.dma_semaphore, #tpu.memory_space<semaphore_mem>>)
      %dma_wait3A = arith.constant 0 : i32
      %dma_wait3A_117 = arith.constant 0 : i32
      %dma_wait3A_118 = tpu.memref_slice %arg9[%run_scoped3A, %dma_wait3A, %dma_wait3A_117] : memref<2x2x80xi32, #tpu.memory_space<vmem>> -> memref<1x2x80xi32, #tpu.memory_space<vmem>>
      %dma_wait3A_119 = tpu.memref_squeeze %dma_wait3A_118 : memref<1x2x80xi32, #tpu.memory_space<vmem>> -> memref<2x80xi32, #tpu.memory_space<vmem>>
      %dma_wait3A_120 = arith.constant 0 : i32
      %dma_wait3A_121 = arith.constant 0 : i32
      %dma_wait3A_122 = tpu.memref_slice %arg3[%add3A_6, %dma_wait3A_120, %dma_wait3A_121] : memref<4000x2x80xi32, #tpu.memory_space<hbm>> -> memref<1x2x80xi32, #tpu.memory_space<hbm>>
      %dma_wait3A_123 = tpu.memref_squeeze %dma_wait3A_122 : memref<1x2x80xi32, #tpu.memory_space<hbm>> -> memref<2x80xi32, #tpu.memory_space<hbm>>
      %dma_wait3A_124 = arith.constant 0 : i32
      %dma_wait3A_125 = arith.constant 0 : i32
      %dma_wait3A_126 = tpu.memref_slice %arg9[%run_scoped3A, %dma_wait3A_124, %dma_wait3A_125] : memref<2x2x80xi32, #tpu.memory_space<vmem>> -> memref<1x2x80xi32, #tpu.memory_space<vmem>>
      %dma_wait3A_127 = tpu.memref_squeeze %dma_wait3A_126 : memref<1x2x80xi32, #tpu.memory_space<vmem>> -> memref<2x80xi32, #tpu.memory_space<vmem>>
      %dma_wait3A_128 = arith.constant 0 : i32
      %dma_wait3A_129 = arith.constant 0 : i32
      %dma_wait3A_130 = tpu.memref_slice %arg3[%add3A_6, %dma_wait3A_128, %dma_wait3A_129] : memref<4000x2x80xi32, #tpu.memory_space<hbm>> -> memref<1x2x80xi32, #tpu.memory_space<hbm>>
      %dma_wait3A_131 = tpu.memref_squeeze %dma_wait3A_130 : memref<1x2x80xi32, #tpu.memory_space<hbm>> -> memref<2x80xi32, #tpu.memory_space<hbm>>
      tpu.wait_dma2 semaphore(%run_scoped3A_100 : memref<!tpu.dma_semaphore, #tpu.memory_space<semaphore_mem>>) src(%dma_wait3A_131 : memref<2x80xi32, #tpu.memory_space<hbm>>) dst(%dma_wait3A_127 : memref<2x80xi32, #tpu.memory_space<vmem>>)
      tpu.yield
    }) : () -> ()
    %mul3A_7 = arith.constant 80 : i32
    %mul3A_8 = arith.muli %add3A_6, %mul3A_7 : i32
    %multiple_of3A_9 = tpu.assume_multiple %mul3A_8, 8 : i32
    %dma_start3A = arith.constant 0 : i32
    %dma_start3A_10 = arith.constant 0 : i32
    %dma_start3A_11 = arith.constant 0 : i32
    %dma_start3A_12 = arith.constant 0 : i32
    %dma_start3A_13 = arith.constant 0 : i32
    %dma_start3A_14 = arith.constant 0 : i32
    %dma_start3A_15 = tpu.memref_slice %arg11[%dma_start3A_11, %dma_start3A_13, %dma_start3A_14] : memref<2x80x128xf32, #tpu.memory_space<vmem>> -> memref<1x80x128xf32, #tpu.memory_space<vmem>>
    %dma_start3A_16 = tpu.memref_squeeze %dma_start3A_15 : memref<1x80x128xf32, #tpu.memory_space<vmem>> -> memref<80x128xf32, #tpu.memory_space<vmem>>
    %dma_start3A_17 = arith.constant 0 : i32
    %dma_start3A_18 = arith.constant 0 : i32
    %dma_start3A_19 = tpu.memref_slice %arg9[%dma_start3A, %dma_start3A_17, %dma_start3A_18] : memref<2x2x80xi32, #tpu.memory_space<vmem>> -> memref<1x2x80xi32, #tpu.memory_space<vmem>>
    %dma_start3A_20 = tpu.memref_squeeze %dma_start3A_19 : memref<1x2x80xi32, #tpu.memory_space<vmem>> -> memref<2x80xi32, #tpu.memory_space<vmem>>
    %dma_start3A_21 = arith.constant 0 : i32
    %dma_start3A_22 = tpu.memref_slice %dma_start3A_20[%dma_start3A_10, %dma_start3A_21] : memref<2x80xi32, #tpu.memory_space<vmem>> -> memref<1x80xi32, #tpu.memory_space<vmem>>
    %dma_start3A_23 = tpu.memref_squeeze %dma_start3A_22 : memref<1x80xi32, #tpu.memory_space<vmem>> -> memref<80xi32, #tpu.memory_space<vmem>>
    %dma_start3A_24 = arith.constant 0 : i32
    %dma_start3A_25 = arith.constant 0 : i32
    %dma_start3A_26 = tpu.memref_slice %arg2[%dma_start3A_24, %dma_start3A_25] : memref<10000x128xf32, #tpu.memory_space<hbm>> -> memref<10000x128xf32, #tpu.memory_space<hbm>>
    %dma_start3A_27 = tpu.memref_slice %arg12[%dma_start3A_12] : memref<2x!tpu.dma_semaphore, #tpu.memory_space<semaphore_mem>> -> memref<1x!tpu.dma_semaphore, #tpu.memory_space<semaphore_mem>>
    %dma_start3A_28 = tpu.memref_squeeze %dma_start3A_27 : memref<1x!tpu.dma_semaphore, #tpu.memory_space<semaphore_mem>> -> memref<!tpu.dma_semaphore, #tpu.memory_space<semaphore_mem>>
    tpu.enqueue_indirect_dma source(%dma_start3A_26 : memref<10000x128xf32, #tpu.memory_space<hbm>>) target(%dma_start3A_16 : memref<80x128xf32, #tpu.memory_space<vmem>>) offsets(%dma_start3A_23 : memref<80xi32, #tpu.memory_space<vmem>>) semaphore(%dma_start3A_28 : memref<!tpu.dma_semaphore, #tpu.memory_space<semaphore_mem>>)
    %dma_start3A_29 = arith.constant 0 : i32
    %dma_start3A_30 = arith.constant 0 : i32
    %dma_start3A_31 = arith.constant 0 : i32
    %dma_start3A_32 = arith.constant 0 : i32
    %dma_start3A_33 = tpu.memref_slice %arg10[%dma_start3A_29, %dma_start3A_31, %dma_start3A_32] : memref<2x80x128xf32, #tpu.memory_space<vmem>> -> memref<1x80x128xf32, #tpu.memory_space<vmem>>
    %dma_start3A_34 = tpu.memref_squeeze %dma_start3A_33 : memref<1x80x128xf32, #tpu.memory_space<vmem>> -> memref<80x128xf32, #tpu.memory_space<vmem>>
    %dma_start3A_35 = arith.constant 0 : i32
    %dma_start3A_36 = tpu.memref_slice %arg4[%multiple_of3A_9, %dma_start3A_35] : memref<320000x128xf32, #tpu.memory_space<hbm>> -> memref<80x128xf32, #tpu.memory_space<hbm>>
    %dma_start3A_37 = tpu.memref_slice %arg13[%dma_start3A_30] : memref<2x!tpu.dma_semaphore, #tpu.memory_space<semaphore_mem>> -> memref<1x!tpu.dma_semaphore, #tpu.memory_space<semaphore_mem>>
    %dma_start3A_38 = tpu.memref_squeeze %dma_start3A_37 : memref<1x!tpu.dma_semaphore, #tpu.memory_space<semaphore_mem>> -> memref<!tpu.dma_semaphore, #tpu.memory_space<semaphore_mem>>
    %dma_start3A_39 = arith.constant 0 : i32
    %dma_start3A_40 = arith.constant 0 : i32
    %dma_start3A_41 = tpu.memref_slice %arg10[%dma_start3A_29, %dma_start3A_39, %dma_start3A_40] : memref<2x80x128xf32, #tpu.memory_space<vmem>> -> memref<1x80x128xf32, #tpu.memory_space<vmem>>
    %dma_start3A_42 = tpu.memref_squeeze %dma_start3A_41 : memref<1x80x128xf32, #tpu.memory_space<vmem>> -> memref<80x128xf32, #tpu.memory_space<vmem>>
    %dma_start3A_43 = arith.constant 0 : i32
    %dma_start3A_44 = tpu.memref_slice %arg4[%multiple_of3A_9, %dma_start3A_43] : memref<320000x128xf32, #tpu.memory_space<hbm>> -> memref<80x128xf32, #tpu.memory_space<hbm>>
    tpu.enqueue_dma source(%dma_start3A_44 : memref<80x128xf32, #tpu.memory_space<hbm>>) target(%dma_start3A_42 : memref<80x128xf32, #tpu.memory_space<vmem>>) target_semaphore(%dma_start3A_38 : memref<!tpu.dma_semaphore, #tpu.memory_space<semaphore_mem>>)
    %add3A_45 = arith.constant 1 : i32
    %add3A_46 = arith.addi %mul3A_4, %add3A_45 : i32
    %run_scoped3A_47 = arith.constant 1 : i32
    "tpu.region"() ({
      %run_scoped3A_100 = tpu.sem_alloc : memref<!tpu.dma_semaphore, #tpu.memory_space<semaphore_mem>>
      %dma_start3A_101 = arith.constant 0 : i32
      %dma_start3A_102 = arith.constant 0 : i32
      %dma_start3A_103 = tpu.memref_slice %arg9[%run_scoped3A_47, %dma_start3A_101, %dma_start3A_102] : memref<2x2x80xi32, #tpu.memory_space<vmem>> -> memref<1x2x80xi32, #tpu.memory_space<vmem>>
      %dma_start3A_104 = tpu.memref_squeeze %dma_start3A_103 : memref<1x2x80xi32, #tpu.memory_space<vmem>> -> memref<2x80xi32, #tpu.memory_space<vmem>>
      %dma_start3A_105 = arith.constant 0 : i32
      %dma_start3A_106 = arith.constant 0 : i32
      %dma_start3A_107 = tpu.memref_slice %arg3[%add3A_46, %dma_start3A_105, %dma_start3A_106] : memref<4000x2x80xi32, #tpu.memory_space<hbm>> -> memref<1x2x80xi32, #tpu.memory_space<hbm>>
      %dma_start3A_108 = tpu.memref_squeeze %dma_start3A_107 : memref<1x2x80xi32, #tpu.memory_space<hbm>> -> memref<2x80xi32, #tpu.memory_space<hbm>>
      %dma_start3A_109 = arith.constant 0 : i32
      %dma_start3A_110 = arith.constant 0 : i32
      %dma_start3A_111 = tpu.memref_slice %arg9[%run_scoped3A_47, %dma_start3A_109, %dma_start3A_110] : memref<2x2x80xi32, #tpu.memory_space<vmem>> -> memref<1x2x80xi32, #tpu.memory_space<vmem>>
      %dma_start3A_112 = tpu.memref_squeeze %dma_start3A_111 : memref<1x2x80xi32, #tpu.memory_space<vmem>> -> memref<2x80xi32, #tpu.memory_space<vmem>>
      %dma_start3A_113 = arith.constant 0 : i32
      %dma_start3A_114 = arith.constant 0 : i32
      %dma_start3A_115 = tpu.memref_slice %arg3[%add3A_46, %dma_start3A_113, %dma_start3A_114] : memref<4000x2x80xi32, #tpu.memory_space<hbm>> -> memref<1x2x80xi32, #tpu.memory_space<hbm>>
      %dma_start3A_116 = tpu.memref_squeeze %dma_start3A_115 : memref<1x2x80xi32, #tpu.memory_space<hbm>> -> memref<2x80xi32, #tpu.memory_space<hbm>>
      tpu.enqueue_dma source(%dma_start3A_116 : memref<2x80xi32, #tpu.memory_space<hbm>>) target(%dma_start3A_112 : memref<2x80xi32, #tpu.memory_space<vmem>>) target_semaphore(%run_scoped3A_100 : memref<!tpu.dma_semaphore, #tpu.memory_space<semaphore_mem>>)
      %dma_wait3A = arith.constant 0 : i32
      %dma_wait3A_117 = arith.constant 0 : i32
      %dma_wait3A_118 = tpu.memref_slice %arg9[%run_scoped3A_47, %dma_wait3A, %dma_wait3A_117] : memref<2x2x80xi32, #tpu.memory_space<vmem>> -> memref<1x2x80xi32, #tpu.memory_space<vmem>>
      %dma_wait3A_119 = tpu.memref_squeeze %dma_wait3A_118 : memref<1x2x80xi32, #tpu.memory_space<vmem>> -> memref<2x80xi32, #tpu.memory_space<vmem>>
      %dma_wait3A_120 = arith.constant 0 : i32
      %dma_wait3A_121 = arith.constant 0 : i32
      %dma_wait3A_122 = tpu.memref_slice %arg3[%add3A_46, %dma_wait3A_120, %dma_wait3A_121] : memref<4000x2x80xi32, #tpu.memory_space<hbm>> -> memref<1x2x80xi32, #tpu.memory_space<hbm>>
      %dma_wait3A_123 = tpu.memref_squeeze %dma_wait3A_122 : memref<1x2x80xi32, #tpu.memory_space<hbm>> -> memref<2x80xi32, #tpu.memory_space<hbm>>
      %dma_wait3A_124 = arith.constant 0 : i32
      %dma_wait3A_125 = arith.constant 0 : i32
      %dma_wait3A_126 = tpu.memref_slice %arg9[%run_scoped3A_47, %dma_wait3A_124, %dma_wait3A_125] : memref<2x2x80xi32, #tpu.memory_space<vmem>> -> memref<1x2x80xi32, #tpu.memory_space<vmem>>
      %dma_wait3A_127 = tpu.memref_squeeze %dma_wait3A_126 : memref<1x2x80xi32, #tpu.memory_space<vmem>> -> memref<2x80xi32, #tpu.memory_space<vmem>>
      %dma_wait3A_128 = arith.constant 0 : i32
      %dma_wait3A_129 = arith.constant 0 : i32
      %dma_wait3A_130 = tpu.memref_slice %arg3[%add3A_46, %dma_wait3A_128, %dma_wait3A_129] : memref<4000x2x80xi32, #tpu.memory_space<hbm>> -> memref<1x2x80xi32, #tpu.memory_space<hbm>>
      %dma_wait3A_131 = tpu.memref_squeeze %dma_wait3A_130 : memref<1x2x80xi32, #tpu.memory_space<hbm>> -> memref<2x80xi32, #tpu.memory_space<hbm>>
      tpu.wait_dma2 semaphore(%run_scoped3A_100 : memref<!tpu.dma_semaphore, #tpu.memory_space<semaphore_mem>>) src(%dma_wait3A_131 : memref<2x80xi32, #tpu.memory_space<hbm>>) dst(%dma_wait3A_127 : memref<2x80xi32, #tpu.memory_space<vmem>>)
      tpu.yield
    }) : () -> ()
    %mul3A_48 = arith.constant 80 : i32
    %mul3A_49 = arith.muli %add3A_46, %mul3A_48 : i32
    %multiple_of3A_50 = tpu.assume_multiple %mul3A_49, 8 : i32
    %dma_start3A_51 = arith.constant 1 : i32
    %dma_start3A_52 = arith.constant 0 : i32
    %dma_start3A_53 = arith.constant 1 : i32
    %dma_start3A_54 = arith.constant 1 : i32
    %dma_start3A_55 = arith.constant 0 : i32
    %dma_start3A_56 = arith.constant 0 : i32
    %dma_start3A_57 = tpu.memref_slice %arg11[%dma_start3A_53, %dma_start3A_55, %dma_start3A_56] : memref<2x80x128xf32, #tpu.memory_space<vmem>> -> memref<1x80x128xf32, #tpu.memory_space<vmem>>
    %dma_start3A_58 = tpu.memref_squeeze %dma_start3A_57 : memref<1x80x128xf32, #tpu.memory_space<vmem>> -> memref<80x128xf32, #tpu.memory_space<vmem>>
    %dma_start3A_59 = arith.constant 0 : i32
    %dma_start3A_60 = arith.constant 0 : i32
    %dma_start3A_61 = tpu.memref_slice %arg9[%dma_start3A_51, %dma_start3A_59, %dma_start3A_60] : memref<2x2x80xi32, #tpu.memory_space<vmem>> -> memref<1x2x80xi32, #tpu.memory_space<vmem>>
    %dma_start3A_62 = tpu.memref_squeeze %dma_start3A_61 : memref<1x2x80xi32, #tpu.memory_space<vmem>> -> memref<2x80xi32, #tpu.memory_space<vmem>>
    %dma_start3A_63 = arith.constant 0 : i32
    %dma_start3A_64 = tpu.memref_slice %dma_start3A_62[%dma_start3A_52, %dma_start3A_63] : memref<2x80xi32, #tpu.memory_space<vmem>> -> memref<1x80xi32, #tpu.memory_space<vmem>>
    %dma_start3A_65 = tpu.memref_squeeze %dma_start3A_64 : memref<1x80xi32, #tpu.memory_space<vmem>> -> memref<80xi32, #tpu.memory_space<vmem>>
    %dma_start3A_66 = arith.constant 0 : i32
    %dma_start3A_67 = arith.constant 0 : i32
    %dma_start3A_68 = tpu.memref_slice %arg2[%dma_start3A_66, %dma_start3A_67] : memref<10000x128xf32, #tpu.memory_space<hbm>> -> memref<10000x128xf32, #tpu.memory_space<hbm>>
    %dma_start3A_69 = tpu.memref_slice %arg12[%dma_start3A_54] : memref<2x!tpu.dma_semaphore, #tpu.memory_space<semaphore_mem>> -> memref<1x!tpu.dma_semaphore, #tpu.memory_space<semaphore_mem>>
    %dma_start3A_70 = tpu.memref_squeeze %dma_start3A_69 : memref<1x!tpu.dma_semaphore, #tpu.memory_space<semaphore_mem>> -> memref<!tpu.dma_semaphore, #tpu.memory_space<semaphore_mem>>
    tpu.enqueue_indirect_dma source(%dma_start3A_68 : memref<10000x128xf32, #tpu.memory_space<hbm>>) target(%dma_start3A_58 : memref<80x128xf32, #tpu.memory_space<vmem>>) offsets(%dma_start3A_65 : memref<80xi32, #tpu.memory_space<vmem>>) semaphore(%dma_start3A_70 : memref<!tpu.dma_semaphore, #tpu.memory_space<semaphore_mem>>)
    %dma_start3A_71 = arith.constant 1 : i32
    %dma_start3A_72 = arith.constant 1 : i32
    %dma_start3A_73 = arith.constant 0 : i32
    %dma_start3A_74 = arith.constant 0 : i32
    %dma_start3A_75 = tpu.memref_slice %arg10[%dma_start3A_71, %dma_start3A_73, %dma_start3A_74] : memref<2x80x128xf32, #tpu.memory_space<vmem>> -> memref<1x80x128xf32, #tpu.memory_space<vmem>>
    %dma_start3A_76 = tpu.memref_squeeze %dma_start3A_75 : memref<1x80x128xf32, #tpu.memory_space<vmem>> -> memref<80x128xf32, #tpu.memory_space<vmem>>
    %dma_start3A_77 = arith.constant 0 : i32
    %dma_start3A_78 = tpu.memref_slice %arg4[%multiple_of3A_50, %dma_start3A_77] : memref<320000x128xf32, #tpu.memory_space<hbm>> -> memref<80x128xf32, #tpu.memory_space<hbm>>
    %dma_start3A_79 = tpu.memref_slice %arg13[%dma_start3A_72] : memref<2x!tpu.dma_semaphore, #tpu.memory_space<semaphore_mem>> -> memref<1x!tpu.dma_semaphore, #tpu.memory_space<semaphore_mem>>
    %dma_start3A_80 = tpu.memref_squeeze %dma_start3A_79 : memref<1x!tpu.dma_semaphore, #tpu.memory_space<semaphore_mem>> -> memref<!tpu.dma_semaphore, #tpu.memory_space<semaphore_mem>>
    %dma_start3A_81 = arith.constant 0 : i32
    %dma_start3A_82 = arith.constant 0 : i32
    %dma_start3A_83 = tpu.memref_slice %arg10[%dma_start3A_71, %dma_start3A_81, %dma_start3A_82] : memref<2x80x128xf32, #tpu.memory_space<vmem>> -> memref<1x80x128xf32, #tpu.memory_space<vmem>>
    %dma_start3A_84 = tpu.memref_squeeze %dma_start3A_83 : memref<1x80x128xf32, #tpu.memory_space<vmem>> -> memref<80x128xf32, #tpu.memory_space<vmem>>
    %dma_start3A_85 = arith.constant 0 : i32
    %dma_start3A_86 = tpu.memref_slice %arg4[%multiple_of3A_50, %dma_start3A_85] : memref<320000x128xf32, #tpu.memory_space<hbm>> -> memref<80x128xf32, #tpu.memory_space<hbm>>
    tpu.enqueue_dma source(%dma_start3A_86 : memref<80x128xf32, #tpu.memory_space<hbm>>) target(%dma_start3A_84 : memref<80x128xf32, #tpu.memory_space<vmem>>) target_semaphore(%dma_start3A_80 : memref<!tpu.dma_semaphore, #tpu.memory_space<semaphore_mem>>)
    %scan3A = arith.constant 0 : i32
    %scan3A_87 = arith.constant 0 : i32
    %scan3A_88 = arith.constant 63 : i32
    %scan3A_89 = arith.addi %scan3A_87, %scan3A_88 : i32
    %scan3A_90 = arith.constant 1 : i32
    scf.for %scan3A_100 = %scan3A_87 to %scan3A_89 step %scan3A_90  : i32 {
      %mul3A_101 = arith.constant 2 : i32
      %mul3A_102 = arith.muli %scan3A_100, %mul3A_101 : i32
      %add3A_103 = arith.constant 0 : i32
      %add3A_104 = arith.addi %mul3A_102, %add3A_103 : i32
      %lt3A = arith.constant 125 : i32
      %lt3A_105 = arith.cmpi slt, %add3A_104, %lt3A : i32
      %convert_element_type3A_106 = arith.extui %lt3A_105 : i1 to i32
      %cond3A_107 = arith.constant 0 : i32
      %cond3A_108 = arith.cmpi ne, %convert_element_type3A_106, %cond3A_107 : i32
      scf.if %cond3A_108 {
        %add3A_118 = arith.addi %mul3A_4, %add3A_104 : i32
        %dma_wait3A = arith.constant 0 : i32
        %dma_wait3A_119 = arith.constant 0 : i32
        %dma_wait3A_120 = arith.constant 0 : i32
        %dma_wait3A_121 = arith.constant 0 : i32
        %dma_wait3A_122 = arith.constant 0 : i32
        %dma_wait3A_123 = arith.constant 0 : i32
        %dma_wait3A_124 = tpu.memref_slice %arg11[%dma_wait3A_120, %dma_wait3A_122, %dma_wait3A_123] : memref<2x80x128xf32, #tpu.memory_space<vmem>> -> memref<1x80x128xf32, #tpu.memory_space<vmem>>
        %dma_wait3A_125 = tpu.memref_squeeze %dma_wait3A_124 : memref<1x80x128xf32, #tpu.memory_space<vmem>> -> memref<80x128xf32, #tpu.memory_space<vmem>>
        %dma_wait3A_126 = arith.constant 0 : i32
        %dma_wait3A_127 = arith.constant 0 : i32
        %dma_wait3A_128 = tpu.memref_slice %arg9[%dma_wait3A, %dma_wait3A_126, %dma_wait3A_127] : memref<2x2x80xi32, #tpu.memory_space<vmem>> -> memref<1x2x80xi32, #tpu.memory_space<vmem>>
        %dma_wait3A_129 = tpu.memref_squeeze %dma_wait3A_128 : memref<1x2x80xi32, #tpu.memory_space<vmem>> -> memref<2x80xi32, #tpu.memory_space<vmem>>
        %dma_wait3A_130 = arith.constant 0 : i32
        %dma_wait3A_131 = tpu.memref_slice %dma_wait3A_129[%dma_wait3A_119, %dma_wait3A_130] : memref<2x80xi32, #tpu.memory_space<vmem>> -> memref<1x80xi32, #tpu.memory_space<vmem>>
        %dma_wait3A_132 = tpu.memref_squeeze %dma_wait3A_131 : memref<1x80xi32, #tpu.memory_space<vmem>> -> memref<80xi32, #tpu.memory_space<vmem>>
        %dma_wait3A_133 = arith.constant 0 : i32
        %dma_wait3A_134 = arith.constant 0 : i32
        %dma_wait3A_135 = tpu.memref_slice %arg2[%dma_wait3A_133, %dma_wait3A_134] : memref<10000x128xf32, #tpu.memory_space<hbm>> -> memref<10000x128xf32, #tpu.memory_space<hbm>>
        %dma_wait3A_136 = tpu.memref_slice %arg12[%dma_wait3A_121] : memref<2x!tpu.dma_semaphore, #tpu.memory_space<semaphore_mem>> -> memref<1x!tpu.dma_semaphore, #tpu.memory_space<semaphore_mem>>
        %dma_wait3A_137 = tpu.memref_squeeze %dma_wait3A_136 : memref<1x!tpu.dma_semaphore, #tpu.memory_space<semaphore_mem>> -> memref<!tpu.dma_semaphore, #tpu.memory_space<semaphore_mem>>
        tpu.wait_indirect_dma semaphore(%dma_wait3A_137 : memref<!tpu.dma_semaphore, #tpu.memory_space<semaphore_mem>>) src(%dma_wait3A_135 : memref<10000x128xf32, #tpu.memory_space<hbm>>) dst(%dma_wait3A_125 : memref<80x128xf32, #tpu.memory_space<vmem>>)
        %dma_wait3A_138 = arith.constant 0 : i32
        %dma_wait3A_139 = arith.constant 0 : i32
        %dma_wait3A_140 = arith.constant 0 : i32
        %dma_wait3A_141 = arith.constant 0 : i32
        %dma_wait3A_142 = tpu.memref_slice %arg10[%dma_wait3A_138, %dma_wait3A_140, %dma_wait3A_141] : memref<2x80x128xf32, #tpu.memory_space<vmem>> -> memref<1x80x128xf32, #tpu.memory_space<vmem>>
        %dma_wait3A_143 = tpu.memref_squeeze %dma_wait3A_142 : memref<1x80x128xf32, #tpu.memory_space<vmem>> -> memref<80x128xf32, #tpu.memory_space<vmem>>
        %dma_wait3A_144 = arith.constant 0 : i32
        %dma_wait3A_145 = arith.constant 0 : i32
        %dma_wait3A_146 = tpu.memref_slice %arg4[%dma_wait3A_144, %dma_wait3A_145] : memref<320000x128xf32, #tpu.memory_space<hbm>> -> memref<80x128xf32, #tpu.memory_space<hbm>>
        %dma_wait3A_147 = tpu.memref_slice %arg13[%dma_wait3A_139] : memref<2x!tpu.dma_semaphore, #tpu.memory_space<semaphore_mem>> -> memref<1x!tpu.dma_semaphore, #tpu.memory_space<semaphore_mem>>
        %dma_wait3A_148 = tpu.memref_squeeze %dma_wait3A_147 : memref<1x!tpu.dma_semaphore, #tpu.memory_space<semaphore_mem>> -> memref<!tpu.dma_semaphore, #tpu.memory_space<semaphore_mem>>
        %dma_wait3A_149 = arith.constant 0 : i32
        %dma_wait3A_150 = arith.constant 0 : i32
        %dma_wait3A_151 = tpu.memref_slice %arg10[%dma_wait3A_138, %dma_wait3A_149, %dma_wait3A_150] : memref<2x80x128xf32, #tpu.memory_space<vmem>> -> memref<1x80x128xf32, #tpu.memory_space<vmem>>
        %dma_wait3A_152 = tpu.memref_squeeze %dma_wait3A_151 : memref<1x80x128xf32, #tpu.memory_space<vmem>> -> memref<80x128xf32, #tpu.memory_space<vmem>>
        %dma_wait3A_153 = arith.constant 0 : i32
        %dma_wait3A_154 = arith.constant 0 : i32
        %dma_wait3A_155 = tpu.memref_slice %arg4[%dma_wait3A_153, %dma_wait3A_154] : memref<320000x128xf32, #tpu.memory_space<hbm>> -> memref<80x128xf32, #tpu.memory_space<hbm>>
        tpu.wait_dma2 semaphore(%dma_wait3A_148 : memref<!tpu.dma_semaphore, #tpu.memory_space<semaphore_mem>>) src(%dma_wait3A_155 : memref<80x128xf32, #tpu.memory_space<hbm>>) dst(%dma_wait3A_152 : memref<80x128xf32, #tpu.memory_space<vmem>>)
        %parallel_loop3A = arith.constant 0 : i32
        %parallel_loop3A_156 = arith.constant 80 : i32
        %parallel_loop3A_157 = arith.constant 1 : i32
        scf.for %parallel_loop3A_168 = %parallel_loop3A to %parallel_loop3A_156 step %parallel_loop3A_157  : i32 {
          %parallel_loop3A_169 = arith.constant 0 : i32
          %parallel_loop3A_170 = arith.index_cast %parallel_loop3A_169 : i32 to index
          %parallel_loop3A_171 = arith.index_cast %parallel_loop3A_168 : i32 to index
          %parallel_loop3A_172 = arith.constant 0 : index
          %parallel_loop3A_173 = tpu.vector_load %arg11[%parallel_loop3A_170, %parallel_loop3A_171, %parallel_loop3A_172] {strides = array<i32>} : memref<2x80x128xf32, #tpu.memory_space<vmem>>, vector<1x1x16xf32>,
          %parallel_loop3A_174 = vector.shape_cast %parallel_loop3A_173 : vector<1x1x16xf32> to vector<16xf32>
          %parallel_loop3A_175 = arith.constant 0 : i32
          %parallel_loop3A_176 = arith.index_cast %parallel_loop3A_175 : i32 to index
          %parallel_loop3A_177 = arith.index_cast %parallel_loop3A_168 : i32 to index
          %parallel_loop3A_178 = arith.constant 0 : index
          %parallel_loop3A_179 = tpu.vector_load %arg10[%parallel_loop3A_176, %parallel_loop3A_177, %parallel_loop3A_178] {strides = array<i32>} : memref<2x80x128xf32, #tpu.memory_space<vmem>>, vector<1x1x16xf32>,
          %parallel_loop3A_180 = vector.shape_cast %parallel_loop3A_179 : vector<1x1x16xf32> to vector<16xf32>
          %parallel_loop3A_181 = arith.addf %parallel_loop3A_174, %parallel_loop3A_180 : vector<16xf32>
          %parallel_loop3A_182 = arith.constant 0.000000e+00 : f32
          %parallel_loop3A_183 = vector.broadcast %parallel_loop3A_182 : f32 to vector<16xf32>
          %parallel_loop3A_184 = arith.maximumf %parallel_loop3A_181, %parallel_loop3A_183 : vector<16xf32>
          %parallel_loop3A_185 = arith.constant 0 : i32
          %parallel_loop3A_186 = arith.index_cast %parallel_loop3A_185 : i32 to index
          %parallel_loop3A_187 = arith.index_cast %parallel_loop3A_168 : i32 to index
          %parallel_loop3A_188 = arith.constant 0 : index
          %parallel_loop3A_189 = tpu.vector_load %arg10[%parallel_loop3A_186, %parallel_loop3A_187, %parallel_loop3A_188] {strides = array<i32>} : memref<2x80x128xf32, #tpu.memory_space<vmem>>, vector<1x1x16xf32>,
          %parallel_loop3A_190 = vector.shape_cast %parallel_loop3A_189 : vector<1x1x16xf32> to vector<16xf32>
          %parallel_loop3A_191 = vector.shape_cast %parallel_loop3A_184 : vector<16xf32> to vector<1x1x16xf32>
          tpu.vector_store %arg10[%parallel_loop3A_186, %parallel_loop3A_187, %parallel_loop3A_188], %parallel_loop3A_191 {strides = array<i32>} : memref<2x80x128xf32, #tpu.memory_space<vmem>>, vector<1x1x16xf32>,
          %parallel_loop3A_192 = arith.constant 0 : i32
          %parallel_loop3A_193 = arith.index_cast %parallel_loop3A_192 : i32 to index
          %parallel_loop3A_194 = arith.index_cast %parallel_loop3A_168 : i32 to index
          %parallel_loop3A_195 = arith.constant 16 : index
          %parallel_loop3A_196 = tpu.vector_load %arg11[%parallel_loop3A_193, %parallel_loop3A_194, %parallel_loop3A_195] {strides = array<i32>} : memref<2x80x128xf32, #tpu.memory_space<vmem>>, vector<1x1x16xf32>,
          %parallel_loop3A_197 = vector.shape_cast %parallel_loop3A_196 : vector<1x1x16xf32> to vector<16xf32>
          %parallel_loop3A_198 = arith.constant 0 : i32
          %parallel_loop3A_199 = arith.index_cast %parallel_loop3A_198 : i32 to index
          %parallel_loop3A_200 = arith.index_cast %parallel_loop3A_168 : i32 to index
          %parallel_loop3A_201 = arith.constant 16 : index
          %parallel_loop3A_202 = tpu.vector_load %arg10[%parallel_loop3A_199, %parallel_loop3A_200, %parallel_loop3A_201] {strides = array<i32>} : memref<2x80x128xf32, #tpu.memory_space<vmem>>, vector<1x1x16xf32>,
          %parallel_loop3A_203 = vector.shape_cast %parallel_loop3A_202 : vector<1x1x16xf32> to vector<16xf32>
          %parallel_loop3A_204 = arith.addf %parallel_loop3A_197, %parallel_loop3A_203 : vector<16xf32>
          %parallel_loop3A_205 = arith.constant 0.000000e+00 : f32
          %parallel_loop3A_206 = vector.broadcast %parallel_loop3A_205 : f32 to vector<16xf32>
          %parallel_loop3A_207 = arith.maximumf %parallel_loop3A_204, %parallel_loop3A_206 : vector<16xf32>
          %parallel_loop3A_208 = arith.constant 0 : i32
          %parallel_loop3A_209 = arith.index_cast %parallel_loop3A_208 : i32 to index
          %parallel_loop3A_210 = arith.index_cast %parallel_loop3A_168 : i32 to index
          %parallel_loop3A_211 = arith.constant 16 : index
          %parallel_loop3A_212 = tpu.vector_load %arg10[%parallel_loop3A_209, %parallel_loop3A_210, %parallel_loop3A_211] {strides = array<i32>} : memref<2x80x128xf32, #tpu.memory_space<vmem>>, vector<1x1x16xf32>,
          %parallel_loop3A_213 = vector.shape_cast %parallel_loop3A_212 : vector<1x1x16xf32> to vector<16xf32>
          %parallel_loop3A_214 = vector.shape_cast %parallel_loop3A_207 : vector<16xf32> to vector<1x1x16xf32>
          tpu.vector_store %arg10[%parallel_loop3A_209, %parallel_loop3A_210, %parallel_loop3A_211], %parallel_loop3A_214 {strides = array<i32>} : memref<2x80x128xf32, #tpu.memory_space<vmem>>, vector<1x1x16xf32>,
          %parallel_loop3A_215 = arith.constant 0 : i32
          %parallel_loop3A_216 = arith.index_cast %parallel_loop3A_215 : i32 to index
          %parallel_loop3A_217 = arith.index_cast %parallel_loop3A_168 : i32 to index
          %parallel_loop3A_218 = arith.constant 32 : index
          %parallel_loop3A_219 = tpu.vector_load %arg11[%parallel_loop3A_216, %parallel_loop3A_217, %parallel_loop3A_218] {strides = array<i32>} : memref<2x80x128xf32, #tpu.memory_space<vmem>>, vector<1x1x16xf32>,
          %parallel_loop3A_220 = vector.shape_cast %parallel_loop3A_219 : vector<1x1x16xf32> to vector<16xf32>
          %parallel_loop3A_221 = arith.constant 0 : i32
          %parallel_loop3A_222 = arith.index_cast %parallel_loop3A_221 : i32 to index
          %parallel_loop3A_223 = arith.index_cast %parallel_loop3A_168 : i32 to index
          %parallel_loop3A_224 = arith.constant 32 : index
          %parallel_loop3A_225 = tpu.vector_load %arg10[%parallel_loop3A_222, %parallel_loop3A_223, %parallel_loop3A_224] {strides = array<i32>} : memref<2x80x128xf32, #tpu.memory_space<vmem>>, vector<1x1x16xf32>,
          %parallel_loop3A_226 = vector.shape_cast %parallel_loop3A_225 : vector<1x1x16xf32> to vector<16xf32>
          %parallel_loop3A_227 = arith.addf %parallel_loop3A_220, %parallel_loop3A_226 : vector<16xf32>
          %parallel_loop3A_228 = arith.constant 0.000000e+00 : f32
          %parallel_loop3A_229 = vector.broadcast %parallel_loop3A_228 : f32 to vector<16xf32>
          %parallel_loop3A_230 = arith.maximumf %parallel_loop3A_227, %parallel_loop3A_229 : vector<16xf32>
          %parallel_loop3A_231 = arith.constant 0 : i32
          %parallel_loop3A_232 = arith.index_cast %parallel_loop3A_231 : i32 to index
          %parallel_loop3A_233 = arith.index_cast %parallel_loop3A_168 : i32 to index
          %parallel_loop3A_234 = arith.constant 32 : index
          %parallel_loop3A_235 = tpu.vector_load %arg10[%parallel_loop3A_232, %parallel_loop3A_233, %parallel_loop3A_234] {strides = array<i32>} : memref<2x80x128xf32, #tpu.memory_space<vmem>>, vector<1x1x16xf32>,
          %parallel_loop3A_236 = vector.shape_cast %parallel_loop3A_235 : vector<1x1x16xf32> to vector<16xf32>
          %parallel_loop3A_237 = vector.shape_cast %parallel_loop3A_230 : vector<16xf32> to vector<1x1x16xf32>
          tpu.vector_store %arg10[%parallel_loop3A_232, %parallel_loop3A_233, %parallel_loop3A_234], %parallel_loop3A_237 {strides = array<i32>} : memref<2x80x128xf32, #tpu.memory_space<vmem>>, vector<1x1x16xf32>,
          %parallel_loop3A_238 = arith.constant 0 : i32
          %parallel_loop3A_239 = arith.index_cast %parallel_loop3A_238 : i32 to index
          %parallel_loop3A_240 = arith.index_cast %parallel_loop3A_168 : i32 to index
          %parallel_loop3A_241 = arith.constant 48 : index
          %parallel_loop3A_242 = tpu.vector_load %arg11[%parallel_loop3A_239, %parallel_loop3A_240, %parallel_loop3A_241] {strides = array<i32>} : memref<2x80x128xf32, #tpu.memory_space<vmem>>, vector<1x1x16xf32>,
          %parallel_loop3A_243 = vector.shape_cast %parallel_loop3A_242 : vector<1x1x16xf32> to vector<16xf32>
          %parallel_loop3A_244 = arith.constant 0 : i32
          %parallel_loop3A_245 = arith.index_cast %parallel_loop3A_244 : i32 to index
          %parallel_loop3A_246 = arith.index_cast %parallel_loop3A_168 : i32 to index
          %parallel_loop3A_247 = arith.constant 48 : index
          %parallel_loop3A_248 = tpu.vector_load %arg10[%parallel_loop3A_245, %parallel_loop3A_246, %parallel_loop3A_247] {strides = array<i32>} : memref<2x80x128xf32, #tpu.memory_space<vmem>>, vector<1x1x16xf32>,
          %parallel_loop3A_249 = vector.shape_cast %parallel_loop3A_248 : vector<1x1x16xf32> to vector<16xf32>
          %parallel_loop3A_250 = arith.addf %parallel_loop3A_243, %parallel_loop3A_249 : vector<16xf32>
          %parallel_loop3A_251 = arith.constant 0.000000e+00 : f32
          %parallel_loop3A_252 = vector.broadcast %parallel_loop3A_251 : f32 to vector<16xf32>
          %parallel_loop3A_253 = arith.maximumf %parallel_loop3A_250, %parallel_loop3A_252 : vector<16xf32>
          %parallel_loop3A_254 = arith.constant 0 : i32
          %parallel_loop3A_255 = arith.index_cast %parallel_loop3A_254 : i32 to index
          %parallel_loop3A_256 = arith.index_cast %parallel_loop3A_168 : i32 to index
          %parallel_loop3A_257 = arith.constant 48 : index
          %parallel_loop3A_258 = tpu.vector_load %arg10[%parallel_loop3A_255, %parallel_loop3A_256, %parallel_loop3A_257] {strides = array<i32>} : memref<2x80x128xf32, #tpu.memory_space<vmem>>, vector<1x1x16xf32>,
          %parallel_loop3A_259 = vector.shape_cast %parallel_loop3A_258 : vector<1x1x16xf32> to vector<16xf32>
          %parallel_loop3A_260 = vector.shape_cast %parallel_loop3A_253 : vector<16xf32> to vector<1x1x16xf32>
          tpu.vector_store %arg10[%parallel_loop3A_255, %parallel_loop3A_256, %parallel_loop3A_257], %parallel_loop3A_260 {strides = array<i32>} : memref<2x80x128xf32, #tpu.memory_space<vmem>>, vector<1x1x16xf32>,
          %parallel_loop3A_261 = arith.constant 0 : i32
          %parallel_loop3A_262 = arith.index_cast %parallel_loop3A_261 : i32 to index
          %parallel_loop3A_263 = arith.index_cast %parallel_loop3A_168 : i32 to index
          %parallel_loop3A_264 = arith.constant 64 : index
          %parallel_loop3A_265 = tpu.vector_load %arg11[%parallel_loop3A_262, %parallel_loop3A_263, %parallel_loop3A_264] {strides = array<i32>} : memref<2x80x128xf32, #tpu.memory_space<vmem>>, vector<1x1x16xf32>,
          %parallel_loop3A_266 = vector.shape_cast %parallel_loop3A_265 : vector<1x1x16xf32> to vector<16xf32>
          %parallel_loop3A_267 = arith.constant 0 : i32
          %parallel_loop3A_268 = arith.index_cast %parallel_loop3A_267 : i32 to index
          %parallel_loop3A_269 = arith.index_cast %parallel_loop3A_168 : i32 to index
          %parallel_loop3A_270 = arith.constant 64 : index
          %parallel_loop3A_271 = tpu.vector_load %arg10[%parallel_loop3A_268, %parallel_loop3A_269, %parallel_loop3A_270] {strides = array<i32>} : memref<2x80x128xf32, #tpu.memory_space<vmem>>, vector<1x1x16xf32>,
          %parallel_loop3A_272 = vector.shape_cast %parallel_loop3A_271 : vector<1x1x16xf32> to vector<16xf32>
          %parallel_loop3A_273 = arith.addf %parallel_loop3A_266, %parallel_loop3A_272 : vector<16xf32>
          %parallel_loop3A_274 = arith.constant 0.000000e+00 : f32
          %parallel_loop3A_275 = vector.broadcast %parallel_loop3A_274 : f32 to vector<16xf32>
          %parallel_loop3A_276 = arith.maximumf %parallel_loop3A_273, %parallel_loop3A_275 : vector<16xf32>
          %parallel_loop3A_277 = arith.constant 0 : i32
          %parallel_loop3A_278 = arith.index_cast %parallel_loop3A_277 : i32 to index
          %parallel_loop3A_279 = arith.index_cast %parallel_loop3A_168 : i32 to index
          %parallel_loop3A_280 = arith.constant 64 : index
          %parallel_loop3A_281 = tpu.vector_load %arg10[%parallel_loop3A_278, %parallel_loop3A_279, %parallel_loop3A_280] {strides = array<i32>} : memref<2x80x128xf32, #tpu.memory_space<vmem>>, vector<1x1x16xf32>,
          %parallel_loop3A_282 = vector.shape_cast %parallel_loop3A_281 : vector<1x1x16xf32> to vector<16xf32>
          %parallel_loop3A_283 = vector.shape_cast %parallel_loop3A_276 : vector<16xf32> to vector<1x1x16xf32>
          tpu.vector_store %arg10[%parallel_loop3A_278, %parallel_loop3A_279, %parallel_loop3A_280], %parallel_loop3A_283 {strides = array<i32>} : memref<2x80x128xf32, #tpu.memory_space<vmem>>, vector<1x1x16xf32>,
          %parallel_loop3A_284 = arith.constant 0 : i32
          %parallel_loop3A_285 = arith.index_cast %parallel_loop3A_284 : i32 to index
          %parallel_loop3A_286 = arith.index_cast %parallel_loop3A_168 : i32 to index
          %parallel_loop3A_287 = arith.constant 80 : index
          %parallel_loop3A_288 = tpu.vector_load %arg11[%parallel_loop3A_285, %parallel_loop3A_286, %parallel_loop3A_287] {strides = array<i32>} : memref<2x80x128xf32, #tpu.memory_space<vmem>>, vector<1x1x16xf32>,
          %parallel_loop3A_289 = vector.shape_cast %parallel_loop3A_288 : vector<1x1x16xf32> to vector<16xf32>
          %parallel_loop3A_290 = arith.constant 0 : i32
          %parallel_loop3A_291 = arith.index_cast %parallel_loop3A_290 : i32 to index
          %parallel_loop3A_292 = arith.index_cast %parallel_loop3A_168 : i32 to index
          %parallel_loop3A_293 = arith.constant 80 : index
          %parallel_loop3A_294 = tpu.vector_load %arg10[%parallel_loop3A_291, %parallel_loop3A_292, %parallel_loop3A_293] {strides = array<i32>} : memref<2x80x128xf32, #tpu.memory_space<vmem>>, vector<1x1x16xf32>,
          %parallel_loop3A_295 = vector.shape_cast %parallel_loop3A_294 : vector<1x1x16xf32> to vector<16xf32>
          %parallel_loop3A_296 = arith.addf %parallel_loop3A_289, %parallel_loop3A_295 : vector<16xf32>
          %parallel_loop3A_297 = arith.constant 0.000000e+00 : f32
          %parallel_loop3A_298 = vector.broadcast %parallel_loop3A_297 : f32 to vector<16xf32>
          %parallel_loop3A_299 = arith.maximumf %parallel_loop3A_296, %parallel_loop3A_298 : vector<16xf32>
          %parallel_loop3A_300 = arith.constant 0 : i32
          %parallel_loop3A_301 = arith.index_cast %parallel_loop3A_300 : i32 to index
          %parallel_loop3A_302 = arith.index_cast %parallel_loop3A_168 : i32 to index
          %parallel_loop3A_303 = arith.constant 80 : index
          %parallel_loop3A_304 = tpu.vector_load %arg10[%parallel_loop3A_301, %parallel_loop3A_302, %parallel_loop3A_303] {strides = array<i32>} : memref<2x80x128xf32, #tpu.memory_space<vmem>>, vector<1x1x16xf32>,
          %parallel_loop3A_305 = vector.shape_cast %parallel_loop3A_304 : vector<1x1x16xf32> to vector<16xf32>
          %parallel_loop3A_306 = vector.shape_cast %parallel_loop3A_299 : vector<16xf32> to vector<1x1x16xf32>
          tpu.vector_store %arg10[%parallel_loop3A_301, %parallel_loop3A_302, %parallel_loop3A_303], %parallel_loop3A_306 {strides = array<i32>} : memref<2x80x128xf32, #tpu.memory_space<vmem>>, vector<1x1x16xf32>,
          %parallel_loop3A_307 = arith.constant 0 : i32
          %parallel_loop3A_308 = arith.index_cast %parallel_loop3A_307 : i32 to index
          %parallel_loop3A_309 = arith.index_cast %parallel_loop3A_168 : i32 to index
          %parallel_loop3A_310 = arith.constant 96 : index
          %parallel_loop3A_311 = tpu.vector_load %arg11[%parallel_loop3A_308, %parallel_loop3A_309, %parallel_loop3A_310] {strides = array<i32>} : memref<2x80x128xf32, #tpu.memory_space<vmem>>, vector<1x1x16xf32>,
          %parallel_loop3A_312 = vector.shape_cast %parallel_loop3A_311 : vector<1x1x16xf32> to vector<16xf32>
          %parallel_loop3A_313 = arith.constant 0 : i32
          %parallel_loop3A_314 = arith.index_cast %parallel_loop3A_313 : i32 to index
          %parallel_loop3A_315 = arith.index_cast %parallel_loop3A_168 : i32 to index
          %parallel_loop3A_316 = arith.constant 96 : index
          %parallel_loop3A_317 = tpu.vector_load %arg10[%parallel_loop3A_314, %parallel_loop3A_315, %parallel_loop3A_316] {strides = array<i32>} : memref<2x80x128xf32, #tpu.memory_space<vmem>>, vector<1x1x16xf32>,
          %parallel_loop3A_318 = vector.shape_cast %parallel_loop3A_317 : vector<1x1x16xf32> to vector<16xf32>
          %parallel_loop3A_319 = arith.addf %parallel_loop3A_312, %parallel_loop3A_318 : vector<16xf32>
          %parallel_loop3A_320 = arith.constant 0.000000e+00 : f32
          %parallel_loop3A_321 = vector.broadcast %parallel_loop3A_320 : f32 to vector<16xf32>
          %parallel_loop3A_322 = arith.maximumf %parallel_loop3A_319, %parallel_loop3A_321 : vector<16xf32>
          %parallel_loop3A_323 = arith.constant 0 : i32
          %parallel_loop3A_324 = arith.index_cast %parallel_loop3A_323 : i32 to index
          %parallel_loop3A_325 = arith.index_cast %parallel_loop3A_168 : i32 to index
          %parallel_loop3A_326 = arith.constant 96 : index
          %parallel_loop3A_327 = tpu.vector_load %arg10[%parallel_loop3A_324, %parallel_loop3A_325, %parallel_loop3A_326] {strides = array<i32>} : memref<2x80x128xf32, #tpu.memory_space<vmem>>, vector<1x1x16xf32>,
          %parallel_loop3A_328 = vector.shape_cast %parallel_loop3A_327 : vector<1x1x16xf32> to vector<16xf32>
          %parallel_loop3A_329 = vector.shape_cast %parallel_loop3A_322 : vector<16xf32> to vector<1x1x16xf32>
          tpu.vector_store %arg10[%parallel_loop3A_324, %parallel_loop3A_325, %parallel_loop3A_326], %parallel_loop3A_329 {strides = array<i32>} : memref<2x80x128xf32, #tpu.memory_space<vmem>>, vector<1x1x16xf32>,
          %parallel_loop3A_330 = arith.constant 0 : i32
          %parallel_loop3A_331 = arith.index_cast %parallel_loop3A_330 : i32 to index
          %parallel_loop3A_332 = arith.index_cast %parallel_loop3A_168 : i32 to index
          %parallel_loop3A_333 = arith.constant 112 : index
          %parallel_loop3A_334 = tpu.vector_load %arg11[%parallel_loop3A_331, %parallel_loop3A_332, %parallel_loop3A_333] {strides = array<i32>} : memref<2x80x128xf32, #tpu.memory_space<vmem>>, vector<1x1x16xf32>,
          %parallel_loop3A_335 = vector.shape_cast %parallel_loop3A_334 : vector<1x1x16xf32> to vector<16xf32>
          %parallel_loop3A_336 = arith.constant 0 : i32
          %parallel_loop3A_337 = arith.index_cast %parallel_loop3A_336 : i32 to index
          %parallel_loop3A_338 = arith.index_cast %parallel_loop3A_168 : i32 to index
          %parallel_loop3A_339 = arith.constant 112 : index
          %parallel_loop3A_340 = tpu.vector_load %arg10[%parallel_loop3A_337, %parallel_loop3A_338, %parallel_loop3A_339] {strides = array<i32>} : memref<2x80x128xf32, #tpu.memory_space<vmem>>, vector<1x1x16xf32>,
          %parallel_loop3A_341 = vector.shape_cast %parallel_loop3A_340 : vector<1x1x16xf32> to vector<16xf32>
          %parallel_loop3A_342 = arith.addf %parallel_loop3A_335, %parallel_loop3A_341 : vector<16xf32>
          %parallel_loop3A_343 = arith.constant 0.000000e+00 : f32
          %parallel_loop3A_344 = vector.broadcast %parallel_loop3A_343 : f32 to vector<16xf32>
          %parallel_loop3A_345 = arith.maximumf %parallel_loop3A_342, %parallel_loop3A_344 : vector<16xf32>
          %parallel_loop3A_346 = arith.constant 0 : i32
          %parallel_loop3A_347 = arith.index_cast %parallel_loop3A_346 : i32 to index
          %parallel_loop3A_348 = arith.index_cast %parallel_loop3A_168 : i32 to index
          %parallel_loop3A_349 = arith.constant 112 : index
          %parallel_loop3A_350 = tpu.vector_load %arg10[%parallel_loop3A_347, %parallel_loop3A_348, %parallel_loop3A_349] {strides = array<i32>} : memref<2x80x128xf32, #tpu.memory_space<vmem>>, vector<1x1x16xf32>,
          %parallel_loop3A_351 = vector.shape_cast %parallel_loop3A_350 : vector<1x1x16xf32> to vector<16xf32>
          %parallel_loop3A_352 = vector.shape_cast %parallel_loop3A_345 : vector<16xf32> to vector<1x1x16xf32>
          tpu.vector_store %arg10[%parallel_loop3A_347, %parallel_loop3A_348, %parallel_loop3A_349], %parallel_loop3A_352 {strides = array<i32>} : memref<2x80x128xf32, #tpu.memory_space<vmem>>, vector<1x1x16xf32>,
        } {sc.loop_unroll_factor = 4 : i64, sc.parallel_access}
        %run_scoped3A_158 = arith.constant 0 : i32
        %run_scoped3A_159 = arith.constant 0 : i32
        %run_scoped3A_160 = arith.constant 1 : i32
        "tpu.region"() ({
          %run_scoped3A_168 = tpu.sem_alloc : memref<!tpu.dma_semaphore, #tpu.memory_space<semaphore_mem>>
          %dma_start3A_169 = arith.constant 0 : i32
          %dma_start3A_170 = arith.constant 0 : i32
          %dma_start3A_171 = tpu.memref_slice %arg10[%run_scoped3A_158, %dma_start3A_169, %dma_start3A_170] : memref<2x80x128xf32, #tpu.memory_space<vmem>> -> memref<1x80x128xf32, #tpu.memory_space<vmem>>
          %dma_start3A_172 = tpu.memref_squeeze %dma_start3A_171 : memref<1x80x128xf32, #tpu.memory_space<vmem>> -> memref<80x128xf32, #tpu.memory_space<vmem>>
          %dma_start3A_173 = arith.constant 0 : i32
          %dma_start3A_174 = arith.constant 0 : i32
          %dma_start3A_175 = tpu.memref_slice %arg9[%run_scoped3A_159, %dma_start3A_173, %dma_start3A_174] : memref<2x2x80xi32, #tpu.memory_space<vmem>> -> memref<1x2x80xi32, #tpu.memory_space<vmem>>
          %dma_start3A_176 = tpu.memref_squeeze %dma_start3A_175 : memref<1x2x80xi32, #tpu.memory_space<vmem>> -> memref<2x80xi32, #tpu.memory_space<vmem>>
          %dma_start3A_177 = arith.constant 0 : i32
          %dma_start3A_178 = tpu.memref_slice %dma_start3A_176[%run_scoped3A_160, %dma_start3A_177] : memref<2x80xi32, #tpu.memory_space<vmem>> -> memref<1x80xi32, #tpu.memory_space<vmem>>
          %dma_start3A_179 = tpu.memref_squeeze %dma_start3A_178 : memref<1x80xi32, #tpu.memory_space<vmem>> -> memref<80xi32, #tpu.memory_space<vmem>>
          %dma_start3A_180 = arith.constant 0 : i32
          %dma_start3A_181 = arith.constant 0 : i32
          %dma_start3A_182 = tpu.memref_slice %arg8[%dma_start3A_180, %dma_start3A_181] : memref<10112x128xf32, #tpu.memory_space<vmem_shared>> -> memref<10112x128xf32, #tpu.memory_space<vmem_shared>>
          tpu.enqueue_indirect_dma source(%dma_start3A_172 : memref<80x128xf32, #tpu.memory_space<vmem>>) target(%dma_start3A_182 : memref<10112x128xf32, #tpu.memory_space<vmem_shared>>) offsets(%dma_start3A_179 : memref<80xi32, #tpu.memory_space<vmem>>) semaphore(%run_scoped3A_168 : memref<!tpu.dma_semaphore, #tpu.memory_space<semaphore_mem>>) {add = true}
          %dma_wait3A_183 = arith.constant 0 : i32
          %dma_wait3A_184 = arith.constant 0 : i32
          %dma_wait3A_185 = tpu.memref_slice %arg10[%run_scoped3A_158, %dma_wait3A_183, %dma_wait3A_184] : memref<2x80x128xf32, #tpu.memory_space<vmem>> -> memref<1x80x128xf32, #tpu.memory_space<vmem>>
          %dma_wait3A_186 = tpu.memref_squeeze %dma_wait3A_185 : memref<1x80x128xf32, #tpu.memory_space<vmem>> -> memref<80x128xf32, #tpu.memory_space<vmem>>
          %dma_wait3A_187 = arith.constant 0 : i32
          %dma_wait3A_188 = arith.constant 0 : i32
          %dma_wait3A_189 = tpu.memref_slice %arg9[%run_scoped3A_159, %dma_wait3A_187, %dma_wait3A_188] : memref<2x2x80xi32, #tpu.memory_space<vmem>> -> memref<1x2x80xi32, #tpu.memory_space<vmem>>
          %dma_wait3A_190 = tpu.memref_squeeze %dma_wait3A_189 : memref<1x2x80xi32, #tpu.memory_space<vmem>> -> memref<2x80xi32, #tpu.memory_space<vmem>>
          %dma_wait3A_191 = arith.constant 0 : i32
          %dma_wait3A_192 = tpu.memref_slice %dma_wait3A_190[%run_scoped3A_160, %dma_wait3A_191] : memref<2x80xi32, #tpu.memory_space<vmem>> -> memref<1x80xi32, #tpu.memory_space<vmem>>
          %dma_wait3A_193 = tpu.memref_squeeze %dma_wait3A_192 : memref<1x80xi32, #tpu.memory_space<vmem>> -> memref<80xi32, #tpu.memory_space<vmem>>
          %dma_wait3A_194 = arith.constant 0 : i32
          %dma_wait3A_195 = arith.constant 0 : i32
          %dma_wait3A_196 = tpu.memref_slice %arg8[%dma_wait3A_194, %dma_wait3A_195] : memref<10112x128xf32, #tpu.memory_space<vmem_shared>> -> memref<10112x128xf32, #tpu.memory_space<vmem_shared>>
          tpu.wait_indirect_dma semaphore(%run_scoped3A_168 : memref<!tpu.dma_semaphore, #tpu.memory_space<semaphore_mem>>) src(%dma_wait3A_186 : memref<80x128xf32, #tpu.memory_space<vmem>>) dst(%dma_wait3A_196 : memref<10112x128xf32, #tpu.memory_space<vmem_shared>>)
          tpu.yield
        }) : () -> ()
        %add3A_161 = arith.constant 2 : i32
        %add3A_162 = arith.addi %add3A_104, %add3A_161 : i32
        %lt3A_163 = arith.constant 125 : i32
        %lt3A_164 = arith.cmpi slt, %add3A_162, %lt3A_163 : i32
        %convert_element_type3A_165 = arith.extui %lt3A_164 : i1 to i32
        %cond3A_166 = arith.constant 0 : i32
        %cond3A_167 = arith.cmpi ne, %convert_element_type3A_165, %cond3A_166 : i32
        scf.if %cond3A_167 {
          %add3A_168 = arith.constant 2 : i32
          %add3A_169 = arith.addi %add3A_118, %add3A_168 : i32
          %run_scoped3A_170 = arith.constant 0 : i32
          "tpu.region"() ({
            %run_scoped3A_210 = tpu.sem_alloc : memref<!tpu.dma_semaphore, #tpu.memory_space<semaphore_mem>>
            %dma_start3A_211 = arith.constant 0 : i32
            %dma_start3A_212 = arith.constant 0 : i32
            %dma_start3A_213 = tpu.memref_slice %arg9[%run_scoped3A_170, %dma_start3A_211, %dma_start3A_212] : memref<2x2x80xi32, #tpu.memory_space<vmem>> -> memref<1x2x80xi32, #tpu.memory_space<vmem>>
            %dma_start3A_214 = tpu.memref_squeeze %dma_start3A_213 : memref<1x2x80xi32, #tpu.memory_space<vmem>> -> memref<2x80xi32, #tpu.memory_space<vmem>>
            %dma_start3A_215 = arith.constant 0 : i32
            %dma_start3A_216 = arith.constant 0 : i32
            %dma_start3A_217 = tpu.memref_slice %arg3[%add3A_169, %dma_start3A_215, %dma_start3A_216] : memref<4000x2x80xi32, #tpu.memory_space<hbm>> -> memref<1x2x80xi32, #tpu.memory_space<hbm>>
            %dma_start3A_218 = tpu.memref_squeeze %dma_start3A_217 : memref<1x2x80xi32, #tpu.memory_space<hbm>> -> memref<2x80xi32, #tpu.memory_space<hbm>>
            %dma_start3A_219 = arith.constant 0 : i32
            %dma_start3A_220 = arith.constant 0 : i32
            %dma_start3A_221 = tpu.memref_slice %arg9[%run_scoped3A_170, %dma_start3A_219, %dma_start3A_220] : memref<2x2x80xi32, #tpu.memory_space<vmem>> -> memref<1x2x80xi32, #tpu.memory_space<vmem>>
            %dma_start3A_222 = tpu.memref_squeeze %dma_start3A_221 : memref<1x2x80xi32, #tpu.memory_space<vmem>> -> memref<2x80xi32, #tpu.memory_space<vmem>>
            %dma_start3A_223 = arith.constant 0 : i32
            %dma_start3A_224 = arith.constant 0 : i32
            %dma_start3A_225 = tpu.memref_slice %arg3[%add3A_169, %dma_start3A_223, %dma_start3A_224] : memref<4000x2x80xi32, #tpu.memory_space<hbm>> -> memref<1x2x80xi32, #tpu.memory_space<hbm>>
            %dma_start3A_226 = tpu.memref_squeeze %dma_start3A_225 : memref<1x2x80xi32, #tpu.memory_space<hbm>> -> memref<2x80xi32, #tpu.memory_space<hbm>>
            tpu.enqueue_dma source(%dma_start3A_226 : memref<2x80xi32, #tpu.memory_space<hbm>>) target(%dma_start3A_222 : memref<2x80xi32, #tpu.memory_space<vmem>>) target_semaphore(%run_scoped3A_210 : memref<!tpu.dma_semaphore, #tpu.memory_space<semaphore_mem>>)
            %dma_wait3A_227 = arith.constant 0 : i32
            %dma_wait3A_228 = arith.constant 0 : i32
            %dma_wait3A_229 = tpu.memref_slice %arg9[%run_scoped3A_170, %dma_wait3A_227, %dma_wait3A_228] : memref<2x2x80xi32, #tpu.memory_space<vmem>> -> memref<1x2x80xi32, #tpu.memory_space<vmem>>
            %dma_wait3A_230 = tpu.memref_squeeze %dma_wait3A_229 : memref<1x2x80xi32, #tpu.memory_space<vmem>> -> memref<2x80xi32, #tpu.memory_space<vmem>>
            %dma_wait3A_231 = arith.constant 0 : i32
            %dma_wait3A_232 = arith.constant 0 : i32
            %dma_wait3A_233 = tpu.memref_slice %arg3[%add3A_169, %dma_wait3A_231, %dma_wait3A_232] : memref<4000x2x80xi32, #tpu.memory_space<hbm>> -> memref<1x2x80xi32, #tpu.memory_space<hbm>>
            %dma_wait3A_234 = tpu.memref_squeeze %dma_wait3A_233 : memref<1x2x80xi32, #tpu.memory_space<hbm>> -> memref<2x80xi32, #tpu.memory_space<hbm>>
            %dma_wait3A_235 = arith.constant 0 : i32
            %dma_wait3A_236 = arith.constant 0 : i32
            %dma_wait3A_237 = tpu.memref_slice %arg9[%run_scoped3A_170, %dma_wait3A_235, %dma_wait3A_236] : memref<2x2x80xi32, #tpu.memory_space<vmem>> -> memref<1x2x80xi32, #tpu.memory_space<vmem>>
            %dma_wait3A_238 = tpu.memref_squeeze %dma_wait3A_237 : memref<1x2x80xi32, #tpu.memory_space<vmem>> -> memref<2x80xi32, #tpu.memory_space<vmem>>
            %dma_wait3A_239 = arith.constant 0 : i32
            %dma_wait3A_240 = arith.constant 0 : i32
            %dma_wait3A_241 = tpu.memref_slice %arg3[%add3A_169, %dma_wait3A_239, %dma_wait3A_240] : memref<4000x2x80xi32, #tpu.memory_space<hbm>> -> memref<1x2x80xi32, #tpu.memory_space<hbm>>
            %dma_wait3A_242 = tpu.memref_squeeze %dma_wait3A_241 : memref<1x2x80xi32, #tpu.memory_space<hbm>> -> memref<2x80xi32, #tpu.memory_space<hbm>>
            tpu.wait_dma2 semaphore(%run_scoped3A_210 : memref<!tpu.dma_semaphore, #tpu.memory_space<semaphore_mem>>) src(%dma_wait3A_242 : memref<2x80xi32, #tpu.memory_space<hbm>>) dst(%dma_wait3A_238 : memref<2x80xi32, #tpu.memory_space<vmem>>)
            tpu.yield
          }) : () -> ()
          %mul3A_171 = arith.constant 80 : i32
          %mul3A_172 = arith.muli %add3A_169, %mul3A_171 : i32
          %multiple_of3A_173 = tpu.assume_multiple %mul3A_172, 8 : i32
          %dma_start3A_174 = arith.constant 0 : i32
          %dma_start3A_175 = arith.constant 0 : i32
          %dma_start3A_176 = arith.constant 0 : i32
          %dma_start3A_177 = arith.constant 0 : i32
          %dma_start3A_178 = arith.constant 0 : i32
          %dma_start3A_179 = arith.constant 0 : i32
          %dma_start3A_180 = tpu.memref_slice %arg11[%dma_start3A_176, %dma_start3A_178, %dma_start3A_179] : memref<2x80x128xf32, #tpu.memory_space<vmem>> -> memref<1x80x128xf32, #tpu.memory_space<vmem>>
          %dma_start3A_181 = tpu.memref_squeeze %dma_start3A_180 : memref<1x80x128xf32, #tpu.memory_space<vmem>> -> memref<80x128xf32, #tpu.memory_space<vmem>>
          %dma_start3A_182 = arith.constant 0 : i32
          %dma_start3A_183 = arith.constant 0 : i32
          %dma_start3A_184 = tpu.memref_slice %arg9[%dma_start3A_174, %dma_start3A_182, %dma_start3A_183] : memref<2x2x80xi32, #tpu.memory_space<vmem>> -> memref<1x2x80xi32, #tpu.memory_space<vmem>>
          %dma_start3A_185 = tpu.memref_squeeze %dma_start3A_184 : memref<1x2x80xi32, #tpu.memory_space<vmem>> -> memref<2x80xi32, #tpu.memory_space<vmem>>
          %dma_start3A_186 = arith.constant 0 : i32
          %dma_start3A_187 = tpu.memref_slice %dma_start3A_185[%dma_start3A_175, %dma_start3A_186] : memref<2x80xi32, #tpu.memory_space<vmem>> -> memref<1x80xi32, #tpu.memory_space<vmem>>
          %dma_start3A_188 = tpu.memref_squeeze %dma_start3A_187 : memref<1x80xi32, #tpu.memory_space<vmem>> -> memref<80xi32, #tpu.memory_space<vmem>>
          %dma_start3A_189 = arith.constant 0 : i32
          %dma_start3A_190 = arith.constant 0 : i32
          %dma_start3A_191 = tpu.memref_slice %arg2[%dma_start3A_189, %dma_start3A_190] : memref<10000x128xf32, #tpu.memory_space<hbm>> -> memref<10000x128xf32, #tpu.memory_space<hbm>>
          %dma_start3A_192 = tpu.memref_slice %arg12[%dma_start3A_177] : memref<2x!tpu.dma_semaphore, #tpu.memory_space<semaphore_mem>> -> memref<1x!tpu.dma_semaphore, #tpu.memory_space<semaphore_mem>>
          %dma_start3A_193 = tpu.memref_squeeze %dma_start3A_192 : memref<1x!tpu.dma_semaphore, #tpu.memory_space<semaphore_mem>> -> memref<!tpu.dma_semaphore, #tpu.memory_space<semaphore_mem>>
          tpu.enqueue_indirect_dma source(%dma_start3A_191 : memref<10000x128xf32, #tpu.memory_space<hbm>>) target(%dma_start3A_181 : memref<80x128xf32, #tpu.memory_space<vmem>>) offsets(%dma_start3A_188 : memref<80xi32, #tpu.memory_space<vmem>>) semaphore(%dma_start3A_193 : memref<!tpu.dma_semaphore, #tpu.memory_space<semaphore_mem>>)
          %dma_start3A_194 = arith.constant 0 : i32
          %dma_start3A_195 = arith.constant 0 : i32
          %dma_start3A_196 = arith.constant 0 : i32
          %dma_start3A_197 = arith.constant 0 : i32
          %dma_start3A_198 = tpu.memref_slice %arg10[%dma_start3A_194, %dma_start3A_196, %dma_start3A_197] : memref<2x80x128xf32, #tpu.memory_space<vmem>> -> memref<1x80x128xf32, #tpu.memory_space<vmem>>
          %dma_start3A_199 = tpu.memref_squeeze %dma_start3A_198 : memref<1x80x128xf32, #tpu.memory_space<vmem>> -> memref<80x128xf32, #tpu.memory_space<vmem>>
          %dma_start3A_200 = arith.constant 0 : i32
          %dma_start3A_201 = tpu.memref_slice %arg4[%multiple_of3A_173, %dma_start3A_200] : memref<320000x128xf32, #tpu.memory_space<hbm>> -> memref<80x128xf32, #tpu.memory_space<hbm>>
          %dma_start3A_202 = tpu.memref_slice %arg13[%dma_start3A_195] : memref<2x!tpu.dma_semaphore, #tpu.memory_space<semaphore_mem>> -> memref<1x!tpu.dma_semaphore, #tpu.memory_space<semaphore_mem>>
          %dma_start3A_203 = tpu.memref_squeeze %dma_start3A_202 : memref<1x!tpu.dma_semaphore, #tpu.memory_space<semaphore_mem>> -> memref<!tpu.dma_semaphore, #tpu.memory_space<semaphore_mem>>
          %dma_start3A_204 = arith.constant 0 : i32
          %dma_start3A_205 = arith.constant 0 : i32
          %dma_start3A_206 = tpu.memref_slice %arg10[%dma_start3A_194, %dma_start3A_204, %dma_start3A_205] : memref<2x80x128xf32, #tpu.memory_space<vmem>> -> memref<1x80x128xf32, #tpu.memory_space<vmem>>
          %dma_start3A_207 = tpu.memref_squeeze %dma_start3A_206 : memref<1x80x128xf32, #tpu.memory_space<vmem>> -> memref<80x128xf32, #tpu.memory_space<vmem>>
          %dma_start3A_208 = arith.constant 0 : i32
          %dma_start3A_209 = tpu.memref_slice %arg4[%multiple_of3A_173, %dma_start3A_208] : memref<320000x128xf32, #tpu.memory_space<hbm>> -> memref<80x128xf32, #tpu.memory_space<hbm>>
          tpu.enqueue_dma source(%dma_start3A_209 : memref<80x128xf32, #tpu.memory_space<hbm>>) target(%dma_start3A_207 : memref<80x128xf32, #tpu.memory_space<vmem>>) target_semaphore(%dma_start3A_203 : memref<!tpu.dma_semaphore, #tpu.memory_space<semaphore_mem>>)
        } else {
        }
      } else {
      }
      %mul3A_109 = arith.constant 2 : i32
      %mul3A_110 = arith.muli %scan3A_100, %mul3A_109 : i32
      %add3A_111 = arith.constant 1 : i32
      %add3A_112 = arith.addi %mul3A_110, %add3A_111 : i32
      %lt3A_113 = arith.constant 125 : i32
      %lt3A_114 = arith.cmpi slt, %add3A_112, %lt3A_113 : i32
      %convert_element_type3A_115 = arith.extui %lt3A_114 : i1 to i32
      %cond3A_116 = arith.constant 0 : i32
      %cond3A_117 = arith.cmpi ne, %convert_element_type3A_115, %cond3A_116 : i32
      scf.if %cond3A_117 {
        %add3A_118 = arith.addi %mul3A_4, %add3A_112 : i32
        %dma_wait3A = arith.constant 1 : i32
        %dma_wait3A_119 = arith.constant 0 : i32
        %dma_wait3A_120 = arith.constant 1 : i32
        %dma_wait3A_121 = arith.constant 1 : i32
        %dma_wait3A_122 = arith.constant 0 : i32
        %dma_wait3A_123 = arith.constant 0 : i32
        %dma_wait3A_124 = tpu.memref_slice %arg11[%dma_wait3A_120, %dma_wait3A_122, %dma_wait3A_123] : memref<2x80x128xf32, #tpu.memory_space<vmem>> -> memref<1x80x128xf32, #tpu.memory_space<vmem>>
        %dma_wait3A_125 = tpu.memref_squeeze %dma_wait3A_124 : memref<1x80x128xf32, #tpu.memory_space<vmem>> -> memref<80x128xf32, #tpu.memory_space<vmem>>
        %dma_wait3A_126 = arith.constant 0 : i32
        %dma_wait3A_127 = arith.constant 0 : i32
        %dma_wait3A_128 = tpu.memref_slice %arg9[%dma_wait3A, %dma_wait3A_126, %dma_wait3A_127] : memref<2x2x80xi32, #tpu.memory_space<vmem>> -> memref<1x2x80xi32, #tpu.memory_space<vmem>>
        %dma_wait3A_129 = tpu.memref_squeeze %dma_wait3A_128 : memref<1x2x80xi32, #tpu.memory_space<vmem>> -> memref<2x80xi32, #tpu.memory_space<vmem>>
        %dma_wait3A_130 = arith.constant 0 : i32
        %dma_wait3A_131 = tpu.memref_slice %dma_wait3A_129[%dma_wait3A_119, %dma_wait3A_130] : memref<2x80xi32, #tpu.memory_space<vmem>> -> memref<1x80xi32, #tpu.memory_space<vmem>>
        %dma_wait3A_132 = tpu.memref_squeeze %dma_wait3A_131 : memref<1x80xi32, #tpu.memory_space<vmem>> -> memref<80xi32, #tpu.memory_space<vmem>>
        %dma_wait3A_133 = arith.constant 0 : i32
        %dma_wait3A_134 = arith.constant 0 : i32
        %dma_wait3A_135 = tpu.memref_slice %arg2[%dma_wait3A_133, %dma_wait3A_134] : memref<10000x128xf32, #tpu.memory_space<hbm>> -> memref<10000x128xf32, #tpu.memory_space<hbm>>
        %dma_wait3A_136 = tpu.memref_slice %arg12[%dma_wait3A_121] : memref<2x!tpu.dma_semaphore, #tpu.memory_space<semaphore_mem>> -> memref<1x!tpu.dma_semaphore, #tpu.memory_space<semaphore_mem>>
        %dma_wait3A_137 = tpu.memref_squeeze %dma_wait3A_136 : memref<1x!tpu.dma_semaphore, #tpu.memory_space<semaphore_mem>> -> memref<!tpu.dma_semaphore, #tpu.memory_space<semaphore_mem>>
        tpu.wait_indirect_dma semaphore(%dma_wait3A_137 : memref<!tpu.dma_semaphore, #tpu.memory_space<semaphore_mem>>) src(%dma_wait3A_135 : memref<10000x128xf32, #tpu.memory_space<hbm>>) dst(%dma_wait3A_125 : memref<80x128xf32, #tpu.memory_space<vmem>>)
        %dma_wait3A_138 = arith.constant 1 : i32
        %dma_wait3A_139 = arith.constant 1 : i32
        %dma_wait3A_140 = arith.constant 0 : i32
        %dma_wait3A_141 = arith.constant 0 : i32
        %dma_wait3A_142 = tpu.memref_slice %arg10[%dma_wait3A_138, %dma_wait3A_140, %dma_wait3A_141] : memref<2x80x128xf32, #tpu.memory_space<vmem>> -> memref<1x80x128xf32, #tpu.memory_space<vmem>>
        %dma_wait3A_143 = tpu.memref_squeeze %dma_wait3A_142 : memref<1x80x128xf32, #tpu.memory_space<vmem>> -> memref<80x128xf32, #tpu.memory_space<vmem>>
        %dma_wait3A_144 = arith.constant 0 : i32
        %dma_wait3A_145 = arith.constant 0 : i32
        %dma_wait3A_146 = tpu.memref_slice %arg4[%dma_wait3A_144, %dma_wait3A_145] : memref<320000x128xf32, #tpu.memory_space<hbm>> -> memref<80x128xf32, #tpu.memory_space<hbm>>
        %dma_wait3A_147 = tpu.memref_slice %arg13[%dma_wait3A_139] : memref<2x!tpu.dma_semaphore, #tpu.memory_space<semaphore_mem>> -> memref<1x!tpu.dma_semaphore, #tpu.memory_space<semaphore_mem>>
        %dma_wait3A_148 = tpu.memref_squeeze %dma_wait3A_147 : memref<1x!tpu.dma_semaphore, #tpu.memory_space<semaphore_mem>> -> memref<!tpu.dma_semaphore, #tpu.memory_space<semaphore_mem>>
        %dma_wait3A_149 = arith.constant 0 : i32
        %dma_wait3A_150 = arith.constant 0 : i32
        %dma_wait3A_151 = tpu.memref_slice %arg10[%dma_wait3A_138, %dma_wait3A_149, %dma_wait3A_150] : memref<2x80x128xf32, #tpu.memory_space<vmem>> -> memref<1x80x128xf32, #tpu.memory_space<vmem>>
        %dma_wait3A_152 = tpu.memref_squeeze %dma_wait3A_151 : memref<1x80x128xf32, #tpu.memory_space<vmem>> -> memref<80x128xf32, #tpu.memory_space<vmem>>
        %dma_wait3A_153 = arith.constant 0 : i32
        %dma_wait3A_154 = arith.constant 0 : i32
        %dma_wait3A_155 = tpu.memref_slice %arg4[%dma_wait3A_153, %dma_wait3A_154] : memref<320000x128xf32, #tpu.memory_space<hbm>> -> memref<80x128xf32, #tpu.memory_space<hbm>>
        tpu.wait_dma2 semaphore(%dma_wait3A_148 : memref<!tpu.dma_semaphore, #tpu.memory_space<semaphore_mem>>) src(%dma_wait3A_155 : memref<80x128xf32, #tpu.memory_space<hbm>>) dst(%dma_wait3A_152 : memref<80x128xf32, #tpu.memory_space<vmem>>)
        %parallel_loop3A = arith.constant 0 : i32
        %parallel_loop3A_156 = arith.constant 80 : i32
        %parallel_loop3A_157 = arith.constant 1 : i32
        scf.for %parallel_loop3A_168 = %parallel_loop3A to %parallel_loop3A_156 step %parallel_loop3A_157  : i32 {
          %parallel_loop3A_169 = arith.constant 1 : i32
          %parallel_loop3A_170 = arith.index_cast %parallel_loop3A_169 : i32 to index
          %parallel_loop3A_171 = arith.index_cast %parallel_loop3A_168 : i32 to index
          %parallel_loop3A_172 = arith.constant 0 : index
          %parallel_loop3A_173 = tpu.vector_load %arg11[%parallel_loop3A_170, %parallel_loop3A_171, %parallel_loop3A_172] {strides = array<i32>} : memref<2x80x128xf32, #tpu.memory_space<vmem>>, vector<1x1x16xf32>,
          %parallel_loop3A_174 = vector.shape_cast %parallel_loop3A_173 : vector<1x1x16xf32> to vector<16xf32>
          %parallel_loop3A_175 = arith.constant 1 : i32
          %parallel_loop3A_176 = arith.index_cast %parallel_loop3A_175 : i32 to index
          %parallel_loop3A_177 = arith.index_cast %parallel_loop3A_168 : i32 to index
          %parallel_loop3A_178 = arith.constant 0 : index
          %parallel_loop3A_179 = tpu.vector_load %arg10[%parallel_loop3A_176, %parallel_loop3A_177, %parallel_loop3A_178] {strides = array<i32>} : memref<2x80x128xf32, #tpu.memory_space<vmem>>, vector<1x1x16xf32>,
          %parallel_loop3A_180 = vector.shape_cast %parallel_loop3A_179 : vector<1x1x16xf32> to vector<16xf32>
          %parallel_loop3A_181 = arith.addf %parallel_loop3A_174, %parallel_loop3A_180 : vector<16xf32>
          %parallel_loop3A_182 = arith.constant 0.000000e+00 : f32
          %parallel_loop3A_183 = vector.broadcast %parallel_loop3A_182 : f32 to vector<16xf32>
          %parallel_loop3A_184 = arith.maximumf %parallel_loop3A_181, %parallel_loop3A_183 : vector<16xf32>
          %parallel_loop3A_185 = arith.constant 1 : i32
          %parallel_loop3A_186 = arith.index_cast %parallel_loop3A_185 : i32 to index
          %parallel_loop3A_187 = arith.index_cast %parallel_loop3A_168 : i32 to index
          %parallel_loop3A_188 = arith.constant 0 : index
          %parallel_loop3A_189 = tpu.vector_load %arg10[%parallel_loop3A_186, %parallel_loop3A_187, %parallel_loop3A_188] {strides = array<i32>} : memref<2x80x128xf32, #tpu.memory_space<vmem>>, vector<1x1x16xf32>,
          %parallel_loop3A_190 = vector.shape_cast %parallel_loop3A_189 : vector<1x1x16xf32> to vector<16xf32>
          %parallel_loop3A_191 = vector.shape_cast %parallel_loop3A_184 : vector<16xf32> to vector<1x1x16xf32>
          tpu.vector_store %arg10[%parallel_loop3A_186, %parallel_loop3A_187, %parallel_loop3A_188], %parallel_loop3A_191 {strides = array<i32>} : memref<2x80x128xf32, #tpu.memory_space<vmem>>, vector<1x1x16xf32>,
          %parallel_loop3A_192 = arith.constant 1 : i32
          %parallel_loop3A_193 = arith.index_cast %parallel_loop3A_192 : i32 to index
          %parallel_loop3A_194 = arith.index_cast %parallel_loop3A_168 : i32 to index
          %parallel_loop3A_195 = arith.constant 16 : index
          %parallel_loop3A_196 = tpu.vector_load %arg11[%parallel_loop3A_193, %parallel_loop3A_194, %parallel_loop3A_195] {strides = array<i32>} : memref<2x80x128xf32, #tpu.memory_space<vmem>>, vector<1x1x16xf32>,
          %parallel_loop3A_197 = vector.shape_cast %parallel_loop3A_196 : vector<1x1x16xf32> to vector<16xf32>
          %parallel_loop3A_198 = arith.constant 1 : i32
          %parallel_loop3A_199 = arith.index_cast %parallel_loop3A_198 : i32 to index
          %parallel_loop3A_200 = arith.index_cast %parallel_loop3A_168 : i32 to index
          %parallel_loop3A_201 = arith.constant 16 : index
          %parallel_loop3A_202 = tpu.vector_load %arg10[%parallel_loop3A_199, %parallel_loop3A_200, %parallel_loop3A_201] {strides = array<i32>} : memref<2x80x128xf32, #tpu.memory_space<vmem>>, vector<1x1x16xf32>,
          %parallel_loop3A_203 = vector.shape_cast %parallel_loop3A_202 : vector<1x1x16xf32> to vector<16xf32>
          %parallel_loop3A_204 = arith.addf %parallel_loop3A_197, %parallel_loop3A_203 : vector<16xf32>
          %parallel_loop3A_205 = arith.constant 0.000000e+00 : f32
          %parallel_loop3A_206 = vector.broadcast %parallel_loop3A_205 : f32 to vector<16xf32>
          %parallel_loop3A_207 = arith.maximumf %parallel_loop3A_204, %parallel_loop3A_206 : vector<16xf32>
          %parallel_loop3A_208 = arith.constant 1 : i32
          %parallel_loop3A_209 = arith.index_cast %parallel_loop3A_208 : i32 to index
          %parallel_loop3A_210 = arith.index_cast %parallel_loop3A_168 : i32 to index
          %parallel_loop3A_211 = arith.constant 16 : index
          %parallel_loop3A_212 = tpu.vector_load %arg10[%parallel_loop3A_209, %parallel_loop3A_210, %parallel_loop3A_211] {strides = array<i32>} : memref<2x80x128xf32, #tpu.memory_space<vmem>>, vector<1x1x16xf32>,
          %parallel_loop3A_213 = vector.shape_cast %parallel_loop3A_212 : vector<1x1x16xf32> to vector<16xf32>
          %parallel_loop3A_214 = vector.shape_cast %parallel_loop3A_207 : vector<16xf32> to vector<1x1x16xf32>
          tpu.vector_store %arg10[%parallel_loop3A_209, %parallel_loop3A_210, %parallel_loop3A_211], %parallel_loop3A_214 {strides = array<i32>} : memref<2x80x128xf32, #tpu.memory_space<vmem>>, vector<1x1x16xf32>,
          %parallel_loop3A_215 = arith.constant 1 : i32
          %parallel_loop3A_216 = arith.index_cast %parallel_loop3A_215 : i32 to index
          %parallel_loop3A_217 = arith.index_cast %parallel_loop3A_168 : i32 to index
          %parallel_loop3A_218 = arith.constant 32 : index
          %parallel_loop3A_219 = tpu.vector_load %arg11[%parallel_loop3A_216, %parallel_loop3A_217, %parallel_loop3A_218] {strides = array<i32>} : memref<2x80x128xf32, #tpu.memory_space<vmem>>, vector<1x1x16xf32>,
          %parallel_loop3A_220 = vector.shape_cast %parallel_loop3A_219 : vector<1x1x16xf32> to vector<16xf32>
          %parallel_loop3A_221 = arith.constant 1 : i32
          %parallel_loop3A_222 = arith.index_cast %parallel_loop3A_221 : i32 to index
          %parallel_loop3A_223 = arith.index_cast %parallel_loop3A_168 : i32 to index
          %parallel_loop3A_224 = arith.constant 32 : index
          %parallel_loop3A_225 = tpu.vector_load %arg10[%parallel_loop3A_222, %parallel_loop3A_223, %parallel_loop3A_224] {strides = array<i32>} : memref<2x80x128xf32, #tpu.memory_space<vmem>>, vector<1x1x16xf32>,
          %parallel_loop3A_226 = vector.shape_cast %parallel_loop3A_225 : vector<1x1x16xf32> to vector<16xf32>
          %parallel_loop3A_227 = arith.addf %parallel_loop3A_220, %parallel_loop3A_226 : vector<16xf32>
          %parallel_loop3A_228 = arith.constant 0.000000e+00 : f32
          %parallel_loop3A_229 = vector.broadcast %parallel_loop3A_228 : f32 to vector<16xf32>
          %parallel_loop3A_230 = arith.maximumf %parallel_loop3A_227, %parallel_loop3A_229 : vector<16xf32>
          %parallel_loop3A_231 = arith.constant 1 : i32
          %parallel_loop3A_232 = arith.index_cast %parallel_loop3A_231 : i32 to index
          %parallel_loop3A_233 = arith.index_cast %parallel_loop3A_168 : i32 to index
          %parallel_loop3A_234 = arith.constant 32 : index
          %parallel_loop3A_235 = tpu.vector_load %arg10[%parallel_loop3A_232, %parallel_loop3A_233, %parallel_loop3A_234] {strides = array<i32>} : memref<2x80x128xf32, #tpu.memory_space<vmem>>, vector<1x1x16xf32>,
          %parallel_loop3A_236 = vector.shape_cast %parallel_loop3A_235 : vector<1x1x16xf32> to vector<16xf32>
          %parallel_loop3A_237 = vector.shape_cast %parallel_loop3A_230 : vector<16xf32> to vector<1x1x16xf32>
          tpu.vector_store %arg10[%parallel_loop3A_232, %parallel_loop3A_233, %parallel_loop3A_234], %parallel_loop3A_237 {strides = array<i32>} : memref<2x80x128xf32, #tpu.memory_space<vmem>>, vector<1x1x16xf32>,
          %parallel_loop3A_238 = arith.constant 1 : i32
          %parallel_loop3A_239 = arith.index_cast %parallel_loop3A_238 : i32 to index
          %parallel_loop3A_240 = arith.index_cast %parallel_loop3A_168 : i32 to index
          %parallel_loop3A_241 = arith.constant 48 : index
          %parallel_loop3A_242 = tpu.vector_load %arg11[%parallel_loop3A_239, %parallel_loop3A_240, %parallel_loop3A_241] {strides = array<i32>} : memref<2x80x128xf32, #tpu.memory_space<vmem>>, vector<1x1x16xf32>,
          %parallel_loop3A_243 = vector.shape_cast %parallel_loop3A_242 : vector<1x1x16xf32> to vector<16xf32>
          %parallel_loop3A_244 = arith.constant 1 : i32
          %parallel_loop3A_245 = arith.index_cast %parallel_loop3A_244 : i32 to index
          %parallel_loop3A_246 = arith.index_cast %parallel_loop3A_168 : i32 to index
          %parallel_loop3A_247 = arith.constant 48 : index
          %parallel_loop3A_248 = tpu.vector_load %arg10[%parallel_loop3A_245, %parallel_loop3A_246, %parallel_loop3A_247] {strides = array<i32>} : memref<2x80x128xf32, #tpu.memory_space<vmem>>, vector<1x1x16xf32>,
          %parallel_loop3A_249 = vector.shape_cast %parallel_loop3A_248 : vector<1x1x16xf32> to vector<16xf32>
          %parallel_loop3A_250 = arith.addf %parallel_loop3A_243, %parallel_loop3A_249 : vector<16xf32>
          %parallel_loop3A_251 = arith.constant 0.000000e+00 : f32
          %parallel_loop3A_252 = vector.broadcast %parallel_loop3A_251 : f32 to vector<16xf32>
          %parallel_loop3A_253 = arith.maximumf %parallel_loop3A_250, %parallel_loop3A_252 : vector<16xf32>
          %parallel_loop3A_254 = arith.constant 1 : i32
          %parallel_loop3A_255 = arith.index_cast %parallel_loop3A_254 : i32 to index
          %parallel_loop3A_256 = arith.index_cast %parallel_loop3A_168 : i32 to index
          %parallel_loop3A_257 = arith.constant 48 : index
          %parallel_loop3A_258 = tpu.vector_load %arg10[%parallel_loop3A_255, %parallel_loop3A_256, %parallel_loop3A_257] {strides = array<i32>} : memref<2x80x128xf32, #tpu.memory_space<vmem>>, vector<1x1x16xf32>,
          %parallel_loop3A_259 = vector.shape_cast %parallel_loop3A_258 : vector<1x1x16xf32> to vector<16xf32>
          %parallel_loop3A_260 = vector.shape_cast %parallel_loop3A_253 : vector<16xf32> to vector<1x1x16xf32>
          tpu.vector_store %arg10[%parallel_loop3A_255, %parallel_loop3A_256, %parallel_loop3A_257], %parallel_loop3A_260 {strides = array<i32>} : memref<2x80x128xf32, #tpu.memory_space<vmem>>, vector<1x1x16xf32>,
          %parallel_loop3A_261 = arith.constant 1 : i32
          %parallel_loop3A_262 = arith.index_cast %parallel_loop3A_261 : i32 to index
          %parallel_loop3A_263 = arith.index_cast %parallel_loop3A_168 : i32 to index
          %parallel_loop3A_264 = arith.constant 64 : index
          %parallel_loop3A_265 = tpu.vector_load %arg11[%parallel_loop3A_262, %parallel_loop3A_263, %parallel_loop3A_264] {strides = array<i32>} : memref<2x80x128xf32, #tpu.memory_space<vmem>>, vector<1x1x16xf32>,
          %parallel_loop3A_266 = vector.shape_cast %parallel_loop3A_265 : vector<1x1x16xf32> to vector<16xf32>
          %parallel_loop3A_267 = arith.constant 1 : i32
          %parallel_loop3A_268 = arith.index_cast %parallel_loop3A_267 : i32 to index
          %parallel_loop3A_269 = arith.index_cast %parallel_loop3A_168 : i32 to index
          %parallel_loop3A_270 = arith.constant 64 : index
          %parallel_loop3A_271 = tpu.vector_load %arg10[%parallel_loop3A_268, %parallel_loop3A_269, %parallel_loop3A_270] {strides = array<i32>} : memref<2x80x128xf32, #tpu.memory_space<vmem>>, vector<1x1x16xf32>,
          %parallel_loop3A_272 = vector.shape_cast %parallel_loop3A_271 : vector<1x1x16xf32> to vector<16xf32>
          %parallel_loop3A_273 = arith.addf %parallel_loop3A_266, %parallel_loop3A_272 : vector<16xf32>
          %parallel_loop3A_274 = arith.constant 0.000000e+00 : f32
          %parallel_loop3A_275 = vector.broadcast %parallel_loop3A_274 : f32 to vector<16xf32>
          %parallel_loop3A_276 = arith.maximumf %parallel_loop3A_273, %parallel_loop3A_275 : vector<16xf32>
          %parallel_loop3A_277 = arith.constant 1 : i32
          %parallel_loop3A_278 = arith.index_cast %parallel_loop3A_277 : i32 to index
          %parallel_loop3A_279 = arith.index_cast %parallel_loop3A_168 : i32 to index
          %parallel_loop3A_280 = arith.constant 64 : index
          %parallel_loop3A_281 = tpu.vector_load %arg10[%parallel_loop3A_278, %parallel_loop3A_279, %parallel_loop3A_280] {strides = array<i32>} : memref<2x80x128xf32, #tpu.memory_space<vmem>>, vector<1x1x16xf32>,
          %parallel_loop3A_282 = vector.shape_cast %parallel_loop3A_281 : vector<1x1x16xf32> to vector<16xf32>
          %parallel_loop3A_283 = vector.shape_cast %parallel_loop3A_276 : vector<16xf32> to vector<1x1x16xf32>
          tpu.vector_store %arg10[%parallel_loop3A_278, %parallel_loop3A_279, %parallel_loop3A_280], %parallel_loop3A_283 {strides = array<i32>} : memref<2x80x128xf32, #tpu.memory_space<vmem>>, vector<1x1x16xf32>,
          %parallel_loop3A_284 = arith.constant 1 : i32
          %parallel_loop3A_285 = arith.index_cast %parallel_loop3A_284 : i32 to index
          %parallel_loop3A_286 = arith.index_cast %parallel_loop3A_168 : i32 to index
          %parallel_loop3A_287 = arith.constant 80 : index
          %parallel_loop3A_288 = tpu.vector_load %arg11[%parallel_loop3A_285, %parallel_loop3A_286, %parallel_loop3A_287] {strides = array<i32>} : memref<2x80x128xf32, #tpu.memory_space<vmem>>, vector<1x1x16xf32>,
          %parallel_loop3A_289 = vector.shape_cast %parallel_loop3A_288 : vector<1x1x16xf32> to vector<16xf32>
          %parallel_loop3A_290 = arith.constant 1 : i32
          %parallel_loop3A_291 = arith.index_cast %parallel_loop3A_290 : i32 to index
          %parallel_loop3A_292 = arith.index_cast %parallel_loop3A_168 : i32 to index
          %parallel_loop3A_293 = arith.constant 80 : index
          %parallel_loop3A_294 = tpu.vector_load %arg10[%parallel_loop3A_291, %parallel_loop3A_292, %parallel_loop3A_293] {strides = array<i32>} : memref<2x80x128xf32, #tpu.memory_space<vmem>>, vector<1x1x16xf32>,
          %parallel_loop3A_295 = vector.shape_cast %parallel_loop3A_294 : vector<1x1x16xf32> to vector<16xf32>
          %parallel_loop3A_296 = arith.addf %parallel_loop3A_289, %parallel_loop3A_295 : vector<16xf32>
          %parallel_loop3A_297 = arith.constant 0.000000e+00 : f32
          %parallel_loop3A_298 = vector.broadcast %parallel_loop3A_297 : f32 to vector<16xf32>
          %parallel_loop3A_299 = arith.maximumf %parallel_loop3A_296, %parallel_loop3A_298 : vector<16xf32>
          %parallel_loop3A_300 = arith.constant 1 : i32
          %parallel_loop3A_301 = arith.index_cast %parallel_loop3A_300 : i32 to index
          %parallel_loop3A_302 = arith.index_cast %parallel_loop3A_168 : i32 to index
          %parallel_loop3A_303 = arith.constant 80 : index
          %parallel_loop3A_304 = tpu.vector_load %arg10[%parallel_loop3A_301, %parallel_loop3A_302, %parallel_loop3A_303] {strides = array<i32>} : memref<2x80x128xf32, #tpu.memory_space<vmem>>, vector<1x1x16xf32>,
          %parallel_loop3A_305 = vector.shape_cast %parallel_loop3A_304 : vector<1x1x16xf32> to vector<16xf32>
          %parallel_loop3A_306 = vector.shape_cast %parallel_loop3A_299 : vector<16xf32> to vector<1x1x16xf32>
          tpu.vector_store %arg10[%parallel_loop3A_301, %parallel_loop3A_302, %parallel_loop3A_303], %parallel_loop3A_306 {strides = array<i32>} : memref<2x80x128xf32, #tpu.memory_space<vmem>>, vector<1x1x16xf32>,
          %parallel_loop3A_307 = arith.constant 1 : i32
          %parallel_loop3A_308 = arith.index_cast %parallel_loop3A_307 : i32 to index
          %parallel_loop3A_309 = arith.index_cast %parallel_loop3A_168 : i32 to index
          %parallel_loop3A_310 = arith.constant 96 : index
          %parallel_loop3A_311 = tpu.vector_load %arg11[%parallel_loop3A_308, %parallel_loop3A_309, %parallel_loop3A_310] {strides = array<i32>} : memref<2x80x128xf32, #tpu.memory_space<vmem>>, vector<1x1x16xf32>,
          %parallel_loop3A_312 = vector.shape_cast %parallel_loop3A_311 : vector<1x1x16xf32> to vector<16xf32>
          %parallel_loop3A_313 = arith.constant 1 : i32
          %parallel_loop3A_314 = arith.index_cast %parallel_loop3A_313 : i32 to index
          %parallel_loop3A_315 = arith.index_cast %parallel_loop3A_168 : i32 to index
          %parallel_loop3A_316 = arith.constant 96 : index
          %parallel_loop3A_317 = tpu.vector_load %arg10[%parallel_loop3A_314, %parallel_loop3A_315, %parallel_loop3A_316] {strides = array<i32>} : memref<2x80x128xf32, #tpu.memory_space<vmem>>, vector<1x1x16xf32>,
          %parallel_loop3A_318 = vector.shape_cast %parallel_loop3A_317 : vector<1x1x16xf32> to vector<16xf32>
          %parallel_loop3A_319 = arith.addf %parallel_loop3A_312, %parallel_loop3A_318 : vector<16xf32>
          %parallel_loop3A_320 = arith.constant 0.000000e+00 : f32
          %parallel_loop3A_321 = vector.broadcast %parallel_loop3A_320 : f32 to vector<16xf32>
          %parallel_loop3A_322 = arith.maximumf %parallel_loop3A_319, %parallel_loop3A_321 : vector<16xf32>
          %parallel_loop3A_323 = arith.constant 1 : i32
          %parallel_loop3A_324 = arith.index_cast %parallel_loop3A_323 : i32 to index
          %parallel_loop3A_325 = arith.index_cast %parallel_loop3A_168 : i32 to index
          %parallel_loop3A_326 = arith.constant 96 : index
          %parallel_loop3A_327 = tpu.vector_load %arg10[%parallel_loop3A_324, %parallel_loop3A_325, %parallel_loop3A_326] {strides = array<i32>} : memref<2x80x128xf32, #tpu.memory_space<vmem>>, vector<1x1x16xf32>,
          %parallel_loop3A_328 = vector.shape_cast %parallel_loop3A_327 : vector<1x1x16xf32> to vector<16xf32>
          %parallel_loop3A_329 = vector.shape_cast %parallel_loop3A_322 : vector<16xf32> to vector<1x1x16xf32>
          tpu.vector_store %arg10[%parallel_loop3A_324, %parallel_loop3A_325, %parallel_loop3A_326], %parallel_loop3A_329 {strides = array<i32>} : memref<2x80x128xf32, #tpu.memory_space<vmem>>, vector<1x1x16xf32>,
          %parallel_loop3A_330 = arith.constant 1 : i32
          %parallel_loop3A_331 = arith.index_cast %parallel_loop3A_330 : i32 to index
          %parallel_loop3A_332 = arith.index_cast %parallel_loop3A_168 : i32 to index
          %parallel_loop3A_333 = arith.constant 112 : index
          %parallel_loop3A_334 = tpu.vector_load %arg11[%parallel_loop3A_331, %parallel_loop3A_332, %parallel_loop3A_333] {strides = array<i32>} : memref<2x80x128xf32, #tpu.memory_space<vmem>>, vector<1x1x16xf32>,
          %parallel_loop3A_335 = vector.shape_cast %parallel_loop3A_334 : vector<1x1x16xf32> to vector<16xf32>
          %parallel_loop3A_336 = arith.constant 1 : i32
          %parallel_loop3A_337 = arith.index_cast %parallel_loop3A_336 : i32 to index
          %parallel_loop3A_338 = arith.index_cast %parallel_loop3A_168 : i32 to index
          %parallel_loop3A_339 = arith.constant 112 : index
          %parallel_loop3A_340 = tpu.vector_load %arg10[%parallel_loop3A_337, %parallel_loop3A_338, %parallel_loop3A_339] {strides = array<i32>} : memref<2x80x128xf32, #tpu.memory_space<vmem>>, vector<1x1x16xf32>,
          %parallel_loop3A_341 = vector.shape_cast %parallel_loop3A_340 : vector<1x1x16xf32> to vector<16xf32>
          %parallel_loop3A_342 = arith.addf %parallel_loop3A_335, %parallel_loop3A_341 : vector<16xf32>
          %parallel_loop3A_343 = arith.constant 0.000000e+00 : f32
          %parallel_loop3A_344 = vector.broadcast %parallel_loop3A_343 : f32 to vector<16xf32>
          %parallel_loop3A_345 = arith.maximumf %parallel_loop3A_342, %parallel_loop3A_344 : vector<16xf32>
          %parallel_loop3A_346 = arith.constant 1 : i32
          %parallel_loop3A_347 = arith.index_cast %parallel_loop3A_346 : i32 to index
          %parallel_loop3A_348 = arith.index_cast %parallel_loop3A_168 : i32 to index
          %parallel_loop3A_349 = arith.constant 112 : index
          %parallel_loop3A_350 = tpu.vector_load %arg10[%parallel_loop3A_347, %parallel_loop3A_348, %parallel_loop3A_349] {strides = array<i32>} : memref<2x80x128xf32, #tpu.memory_space<vmem>>, vector<1x1x16xf32>,
          %parallel_loop3A_351 = vector.shape_cast %parallel_loop3A_350 : vector<1x1x16xf32> to vector<16xf32>
          %parallel_loop3A_352 = vector.shape_cast %parallel_loop3A_345 : vector<16xf32> to vector<1x1x16xf32>
          tpu.vector_store %arg10[%parallel_loop3A_347, %parallel_loop3A_348, %parallel_loop3A_349], %parallel_loop3A_352 {strides = array<i32>} : memref<2x80x128xf32, #tpu.memory_space<vmem>>, vector<1x1x16xf32>,
        } {sc.loop_unroll_factor = 4 : i64, sc.parallel_access}
        %run_scoped3A_158 = arith.constant 1 : i32
        %run_scoped3A_159 = arith.constant 1 : i32
        %run_scoped3A_160 = arith.constant 1 : i32
        "tpu.region"() ({
          %run_scoped3A_168 = tpu.sem_alloc : memref<!tpu.dma_semaphore, #tpu.memory_space<semaphore_mem>>
          %dma_start3A_169 = arith.constant 0 : i32
          %dma_start3A_170 = arith.constant 0 : i32
          %dma_start3A_171 = tpu.memref_slice %arg10[%run_scoped3A_158, %dma_start3A_169, %dma_start3A_170] : memref<2x80x128xf32, #tpu.memory_space<vmem>> -> memref<1x80x128xf32, #tpu.memory_space<vmem>>
          %dma_start3A_172 = tpu.memref_squeeze %dma_start3A_171 : memref<1x80x128xf32, #tpu.memory_space<vmem>> -> memref<80x128xf32, #tpu.memory_space<vmem>>
          %dma_start3A_173 = arith.constant 0 : i32
          %dma_start3A_174 = arith.constant 0 : i32
          %dma_start3A_175 = tpu.memref_slice %arg9[%run_scoped3A_159, %dma_start3A_173, %dma_start3A_174] : memref<2x2x80xi32, #tpu.memory_space<vmem>> -> memref<1x2x80xi32, #tpu.memory_space<vmem>>
          %dma_start3A_176 = tpu.memref_squeeze %dma_start3A_175 : memref<1x2x80xi32, #tpu.memory_space<vmem>> -> memref<2x80xi32, #tpu.memory_space<vmem>>
          %dma_start3A_177 = arith.constant 0 : i32
          %dma_start3A_178 = tpu.memref_slice %dma_start3A_176[%run_scoped3A_160, %dma_start3A_177] : memref<2x80xi32, #tpu.memory_space<vmem>> -> memref<1x80xi32, #tpu.memory_space<vmem>>
          %dma_start3A_179 = tpu.memref_squeeze %dma_start3A_178 : memref<1x80xi32, #tpu.memory_space<vmem>> -> memref<80xi32, #tpu.memory_space<vmem>>
          %dma_start3A_180 = arith.constant 0 : i32
          %dma_start3A_181 = arith.constant 0 : i32
          %dma_start3A_182 = tpu.memref_slice %arg8[%dma_start3A_180, %dma_start3A_181] : memref<10112x128xf32, #tpu.memory_space<vmem_shared>> -> memref<10112x128xf32, #tpu.memory_space<vmem_shared>>
          tpu.enqueue_indirect_dma source(%dma_start3A_172 : memref<80x128xf32, #tpu.memory_space<vmem>>) target(%dma_start3A_182 : memref<10112x128xf32, #tpu.memory_space<vmem_shared>>) offsets(%dma_start3A_179 : memref<80xi32, #tpu.memory_space<vmem>>) semaphore(%run_scoped3A_168 : memref<!tpu.dma_semaphore, #tpu.memory_space<semaphore_mem>>) {add = true}
          %dma_wait3A_183 = arith.constant 0 : i32
          %dma_wait3A_184 = arith.constant 0 : i32
          %dma_wait3A_185 = tpu.memref_slice %arg10[%run_scoped3A_158, %dma_wait3A_183, %dma_wait3A_184] : memref<2x80x128xf32, #tpu.memory_space<vmem>> -> memref<1x80x128xf32, #tpu.memory_space<vmem>>
          %dma_wait3A_186 = tpu.memref_squeeze %dma_wait3A_185 : memref<1x80x128xf32, #tpu.memory_space<vmem>> -> memref<80x128xf32, #tpu.memory_space<vmem>>
          %dma_wait3A_187 = arith.constant 0 : i32
          %dma_wait3A_188 = arith.constant 0 : i32
          %dma_wait3A_189 = tpu.memref_slice %arg9[%run_scoped3A_159, %dma_wait3A_187, %dma_wait3A_188] : memref<2x2x80xi32, #tpu.memory_space<vmem>> -> memref<1x2x80xi32, #tpu.memory_space<vmem>>
          %dma_wait3A_190 = tpu.memref_squeeze %dma_wait3A_189 : memref<1x2x80xi32, #tpu.memory_space<vmem>> -> memref<2x80xi32, #tpu.memory_space<vmem>>
          %dma_wait3A_191 = arith.constant 0 : i32
          %dma_wait3A_192 = tpu.memref_slice %dma_wait3A_190[%run_scoped3A_160, %dma_wait3A_191] : memref<2x80xi32, #tpu.memory_space<vmem>> -> memref<1x80xi32, #tpu.memory_space<vmem>>
          %dma_wait3A_193 = tpu.memref_squeeze %dma_wait3A_192 : memref<1x80xi32, #tpu.memory_space<vmem>> -> memref<80xi32, #tpu.memory_space<vmem>>
          %dma_wait3A_194 = arith.constant 0 : i32
          %dma_wait3A_195 = arith.constant 0 : i32
          %dma_wait3A_196 = tpu.memref_slice %arg8[%dma_wait3A_194, %dma_wait3A_195] : memref<10112x128xf32, #tpu.memory_space<vmem_shared>> -> memref<10112x128xf32, #tpu.memory_space<vmem_shared>>
          tpu.wait_indirect_dma semaphore(%run_scoped3A_168 : memref<!tpu.dma_semaphore, #tpu.memory_space<semaphore_mem>>) src(%dma_wait3A_186 : memref<80x128xf32, #tpu.memory_space<vmem>>) dst(%dma_wait3A_196 : memref<10112x128xf32, #tpu.memory_space<vmem_shared>>)
          tpu.yield
        }) : () -> ()
        %add3A_161 = arith.constant 2 : i32
        %add3A_162 = arith.addi %add3A_112, %add3A_161 : i32
        %lt3A_163 = arith.constant 125 : i32
        %lt3A_164 = arith.cmpi slt, %add3A_162, %lt3A_163 : i32
        %convert_element_type3A_165 = arith.extui %lt3A_164 : i1 to i32
        %cond3A_166 = arith.constant 0 : i32
        %cond3A_167 = arith.cmpi ne, %convert_element_type3A_165, %cond3A_166 : i32
        scf.if %cond3A_167 {
          %add3A_168 = arith.constant 2 : i32
          %add3A_169 = arith.addi %add3A_118, %add3A_168 : i32
          %run_scoped3A_170 = arith.constant 1 : i32
          "tpu.region"() ({
            %run_scoped3A_210 = tpu.sem_alloc : memref<!tpu.dma_semaphore, #tpu.memory_space<semaphore_mem>>
            %dma_start3A_211 = arith.constant 0 : i32
            %dma_start3A_212 = arith.constant 0 : i32
            %dma_start3A_213 = tpu.memref_slice %arg9[%run_scoped3A_170, %dma_start3A_211, %dma_start3A_212] : memref<2x2x80xi32, #tpu.memory_space<vmem>> -> memref<1x2x80xi32, #tpu.memory_space<vmem>>
            %dma_start3A_214 = tpu.memref_squeeze %dma_start3A_213 : memref<1x2x80xi32, #tpu.memory_space<vmem>> -> memref<2x80xi32, #tpu.memory_space<vmem>>
            %dma_start3A_215 = arith.constant 0 : i32
            %dma_start3A_216 = arith.constant 0 : i32
            %dma_start3A_217 = tpu.memref_slice %arg3[%add3A_169, %dma_start3A_215, %dma_start3A_216] : memref<4000x2x80xi32, #tpu.memory_space<hbm>> -> memref<1x2x80xi32, #tpu.memory_space<hbm>>
            %dma_start3A_218 = tpu.memref_squeeze %dma_start3A_217 : memref<1x2x80xi32, #tpu.memory_space<hbm>> -> memref<2x80xi32, #tpu.memory_space<hbm>>
            %dma_start3A_219 = arith.constant 0 : i32
            %dma_start3A_220 = arith.constant 0 : i32
            %dma_start3A_221 = tpu.memref_slice %arg9[%run_scoped3A_170, %dma_start3A_219, %dma_start3A_220] : memref<2x2x80xi32, #tpu.memory_space<vmem>> -> memref<1x2x80xi32, #tpu.memory_space<vmem>>
            %dma_start3A_222 = tpu.memref_squeeze %dma_start3A_221 : memref<1x2x80xi32, #tpu.memory_space<vmem>> -> memref<2x80xi32, #tpu.memory_space<vmem>>
            %dma_start3A_223 = arith.constant 0 : i32
            %dma_start3A_224 = arith.constant 0 : i32
            %dma_start3A_225 = tpu.memref_slice %arg3[%add3A_169, %dma_start3A_223, %dma_start3A_224] : memref<4000x2x80xi32, #tpu.memory_space<hbm>> -> memref<1x2x80xi32, #tpu.memory_space<hbm>>
            %dma_start3A_226 = tpu.memref_squeeze %dma_start3A_225 : memref<1x2x80xi32, #tpu.memory_space<hbm>> -> memref<2x80xi32, #tpu.memory_space<hbm>>
            tpu.enqueue_dma source(%dma_start3A_226 : memref<2x80xi32, #tpu.memory_space<hbm>>) target(%dma_start3A_222 : memref<2x80xi32, #tpu.memory_space<vmem>>) target_semaphore(%run_scoped3A_210 : memref<!tpu.dma_semaphore, #tpu.memory_space<semaphore_mem>>)
            %dma_wait3A_227 = arith.constant 0 : i32
            %dma_wait3A_228 = arith.constant 0 : i32
            %dma_wait3A_229 = tpu.memref_slice %arg9[%run_scoped3A_170, %dma_wait3A_227, %dma_wait3A_228] : memref<2x2x80xi32, #tpu.memory_space<vmem>> -> memref<1x2x80xi32, #tpu.memory_space<vmem>>
            %dma_wait3A_230 = tpu.memref_squeeze %dma_wait3A_229 : memref<1x2x80xi32, #tpu.memory_space<vmem>> -> memref<2x80xi32, #tpu.memory_space<vmem>>
            %dma_wait3A_231 = arith.constant 0 : i32
            %dma_wait3A_232 = arith.constant 0 : i32
            %dma_wait3A_233 = tpu.memref_slice %arg3[%add3A_169, %dma_wait3A_231, %dma_wait3A_232] : memref<4000x2x80xi32, #tpu.memory_space<hbm>> -> memref<1x2x80xi32, #tpu.memory_space<hbm>>
            %dma_wait3A_234 = tpu.memref_squeeze %dma_wait3A_233 : memref<1x2x80xi32, #tpu.memory_space<hbm>> -> memref<2x80xi32, #tpu.memory_space<hbm>>
            %dma_wait3A_235 = arith.constant 0 : i32
            %dma_wait3A_236 = arith.constant 0 : i32
            %dma_wait3A_237 = tpu.memref_slice %arg9[%run_scoped3A_170, %dma_wait3A_235, %dma_wait3A_236] : memref<2x2x80xi32, #tpu.memory_space<vmem>> -> memref<1x2x80xi32, #tpu.memory_space<vmem>>
            %dma_wait3A_238 = tpu.memref_squeeze %dma_wait3A_237 : memref<1x2x80xi32, #tpu.memory_space<vmem>> -> memref<2x80xi32, #tpu.memory_space<vmem>>
            %dma_wait3A_239 = arith.constant 0 : i32
            %dma_wait3A_240 = arith.constant 0 : i32
            %dma_wait3A_241 = tpu.memref_slice %arg3[%add3A_169, %dma_wait3A_239, %dma_wait3A_240] : memref<4000x2x80xi32, #tpu.memory_space<hbm>> -> memref<1x2x80xi32, #tpu.memory_space<hbm>>
            %dma_wait3A_242 = tpu.memref_squeeze %dma_wait3A_241 : memref<1x2x80xi32, #tpu.memory_space<hbm>> -> memref<2x80xi32, #tpu.memory_space<hbm>>
            tpu.wait_dma2 semaphore(%run_scoped3A_210 : memref<!tpu.dma_semaphore, #tpu.memory_space<semaphore_mem>>) src(%dma_wait3A_242 : memref<2x80xi32, #tpu.memory_space<hbm>>) dst(%dma_wait3A_238 : memref<2x80xi32, #tpu.memory_space<vmem>>)
            tpu.yield
          }) : () -> ()
          %mul3A_171 = arith.constant 80 : i32
          %mul3A_172 = arith.muli %add3A_169, %mul3A_171 : i32
          %multiple_of3A_173 = tpu.assume_multiple %mul3A_172, 8 : i32
          %dma_start3A_174 = arith.constant 1 : i32
          %dma_start3A_175 = arith.constant 0 : i32
          %dma_start3A_176 = arith.constant 1 : i32
          %dma_start3A_177 = arith.constant 1 : i32
          %dma_start3A_178 = arith.constant 0 : i32
          %dma_start3A_179 = arith.constant 0 : i32
          %dma_start3A_180 = tpu.memref_slice %arg11[%dma_start3A_176, %dma_start3A_178, %dma_start3A_179] : memref<2x80x128xf32, #tpu.memory_space<vmem>> -> memref<1x80x128xf32, #tpu.memory_space<vmem>>
          %dma_start3A_181 = tpu.memref_squeeze %dma_start3A_180 : memref<1x80x128xf32, #tpu.memory_space<vmem>> -> memref<80x128xf32, #tpu.memory_space<vmem>>
          %dma_start3A_182 = arith.constant 0 : i32
          %dma_start3A_183 = arith.constant 0 : i32
          %dma_start3A_184 = tpu.memref_slice %arg9[%dma_start3A_174, %dma_start3A_182, %dma_start3A_183] : memref<2x2x80xi32, #tpu.memory_space<vmem>> -> memref<1x2x80xi32, #tpu.memory_space<vmem>>
          %dma_start3A_185 = tpu.memref_squeeze %dma_start3A_184 : memref<1x2x80xi32, #tpu.memory_space<vmem>> -> memref<2x80xi32, #tpu.memory_space<vmem>>
          %dma_start3A_186 = arith.constant 0 : i32
          %dma_start3A_187 = tpu.memref_slice %dma_start3A_185[%dma_start3A_175, %dma_start3A_186] : memref<2x80xi32, #tpu.memory_space<vmem>> -> memref<1x80xi32, #tpu.memory_space<vmem>>
          %dma_start3A_188 = tpu.memref_squeeze %dma_start3A_187 : memref<1x80xi32, #tpu.memory_space<vmem>> -> memref<80xi32, #tpu.memory_space<vmem>>
          %dma_start3A_189 = arith.constant 0 : i32
          %dma_start3A_190 = arith.constant 0 : i32
          %dma_start3A_191 = tpu.memref_slice %arg2[%dma_start3A_189, %dma_start3A_190] : memref<10000x128xf32, #tpu.memory_space<hbm>> -> memref<10000x128xf32, #tpu.memory_space<hbm>>
          %dma_start3A_192 = tpu.memref_slice %arg12[%dma_start3A_177] : memref<2x!tpu.dma_semaphore, #tpu.memory_space<semaphore_mem>> -> memref<1x!tpu.dma_semaphore, #tpu.memory_space<semaphore_mem>>
          %dma_start3A_193 = tpu.memref_squeeze %dma_start3A_192 : memref<1x!tpu.dma_semaphore, #tpu.memory_space<semaphore_mem>> -> memref<!tpu.dma_semaphore, #tpu.memory_space<semaphore_mem>>
          tpu.enqueue_indirect_dma source(%dma_start3A_191 : memref<10000x128xf32, #tpu.memory_space<hbm>>) target(%dma_start3A_181 : memref<80x128xf32, #tpu.memory_space<vmem>>) offsets(%dma_start3A_188 : memref<80xi32, #tpu.memory_space<vmem>>) semaphore(%dma_start3A_193 : memref<!tpu.dma_semaphore, #tpu.memory_space<semaphore_mem>>)
          %dma_start3A_194 = arith.constant 1 : i32
          %dma_start3A_195 = arith.constant 1 : i32
          %dma_start3A_196 = arith.constant 0 : i32
          %dma_start3A_197 = arith.constant 0 : i32
          %dma_start3A_198 = tpu.memref_slice %arg10[%dma_start3A_194, %dma_start3A_196, %dma_start3A_197] : memref<2x80x128xf32, #tpu.memory_space<vmem>> -> memref<1x80x128xf32, #tpu.memory_space<vmem>>
          %dma_start3A_199 = tpu.memref_squeeze %dma_start3A_198 : memref<1x80x128xf32, #tpu.memory_space<vmem>> -> memref<80x128xf32, #tpu.memory_space<vmem>>
          %dma_start3A_200 = arith.constant 0 : i32
          %dma_start3A_201 = tpu.memref_slice %arg4[%multiple_of3A_173, %dma_start3A_200] : memref<320000x128xf32, #tpu.memory_space<hbm>> -> memref<80x128xf32, #tpu.memory_space<hbm>>
          %dma_start3A_202 = tpu.memref_slice %arg13[%dma_start3A_195] : memref<2x!tpu.dma_semaphore, #tpu.memory_space<semaphore_mem>> -> memref<1x!tpu.dma_semaphore, #tpu.memory_space<semaphore_mem>>
          %dma_start3A_203 = tpu.memref_squeeze %dma_start3A_202 : memref<1x!tpu.dma_semaphore, #tpu.memory_space<semaphore_mem>> -> memref<!tpu.dma_semaphore, #tpu.memory_space<semaphore_mem>>
          %dma_start3A_204 = arith.constant 0 : i32
          %dma_start3A_205 = arith.constant 0 : i32
          %dma_start3A_206 = tpu.memref_slice %arg10[%dma_start3A_194, %dma_start3A_204, %dma_start3A_205] : memref<2x80x128xf32, #tpu.memory_space<vmem>> -> memref<1x80x128xf32, #tpu.memory_space<vmem>>
          %dma_start3A_207 = tpu.memref_squeeze %dma_start3A_206 : memref<1x80x128xf32, #tpu.memory_space<vmem>> -> memref<80x128xf32, #tpu.memory_space<vmem>>
          %dma_start3A_208 = arith.constant 0 : i32
          %dma_start3A_209 = tpu.memref_slice %arg4[%multiple_of3A_173, %dma_start3A_208] : memref<320000x128xf32, #tpu.memory_space<hbm>> -> memref<80x128xf32, #tpu.memory_space<hbm>>
          tpu.enqueue_dma source(%dma_start3A_209 : memref<80x128xf32, #tpu.memory_space<hbm>>) target(%dma_start3A_207 : memref<80x128xf32, #tpu.memory_space<vmem>>) target_semaphore(%dma_start3A_203 : memref<!tpu.dma_semaphore, #tpu.memory_space<semaphore_mem>>)
        } else {
        }
      } else {
      }
    }
    %scan3A_91 = arith.constant 63 : i32
    %barrier3A_92 = arith.constant 0 : index
    tpu.barrier barrier_id(%barrier3A_92)
    %eq3A = arith.constant 0 : i32
    %eq3A_93 = arith.cmpi eq, %arg0, %eq3A : i32
    %convert_element_type3A = arith.extui %eq3A_93 : i1 to i32
    %cond3A = arith.constant 0 : i32
    %cond3A_94 = arith.cmpi ne, %convert_element_type3A, %cond3A : i32
    scf.if %cond3A_94 {
      "tpu.region"() ({
        %run_scoped3A_100 = tpu.sem_alloc : memref<!tpu.dma_semaphore, #tpu.memory_space<semaphore_mem>>
        %dma_start3A_101 = arith.constant 0 : i32
        %dma_start3A_102 = tpu.memref_slice %arg6[%multiple_of3A, %dma_start3A_101] : memref<10112x128xf32, #tpu.memory_space<hbm>> -> memref<632x128xf32, #tpu.memory_space<hbm>>
        %dma_start3A_103 = arith.constant 0 : i32
        %dma_start3A_104 = tpu.memref_slice %arg8[%multiple_of3A, %dma_start3A_103] : memref<10112x128xf32, #tpu.memory_space<vmem_shared>> -> memref<632x128xf32, #tpu.memory_space<vmem_shared>>
        tpu.enqueue_dma source(%dma_start3A_104 : memref<632x128xf32, #tpu.memory_space<vmem_shared>>) target(%dma_start3A_102 : memref<632x128xf32, #tpu.memory_space<hbm>>) target_semaphore(%run_scoped3A_100 : memref<!tpu.dma_semaphore, #tpu.memory_space<semaphore_mem>>)
        %dma_wait3A = arith.constant 0 : i32
        %dma_wait3A_105 = tpu.memref_slice %arg6[%multiple_of3A, %dma_wait3A] : memref<10112x128xf32, #tpu.memory_space<hbm>> -> memref<632x128xf32, #tpu.memory_space<hbm>>
        %dma_wait3A_106 = arith.constant 0 : i32
        %dma_wait3A_107 = tpu.memref_slice %arg8[%multiple_of3A, %dma_wait3A_106] : memref<10112x128xf32, #tpu.memory_space<vmem_shared>> -> memref<632x128xf32, #tpu.memory_space<vmem_shared>>
        tpu.wait_dma2 semaphore(%run_scoped3A_100 : memref<!tpu.dma_semaphore, #tpu.memory_space<semaphore_mem>>) src(%dma_wait3A_107 : memref<632x128xf32, #tpu.memory_space<vmem_shared>>) dst(%dma_wait3A_105 : memref<632x128xf32, #tpu.memory_space<hbm>>)
        tpu.yield
      }) : () -> ()
    } else {
    }
    %eq3A_95 = arith.constant 1 : i32
    %eq3A_96 = arith.cmpi eq, %arg0, %eq3A_95 : i32
    %convert_element_type3A_97 = arith.extui %eq3A_96 : i1 to i32
    %cond3A_98 = arith.constant 0 : i32
    %cond3A_99 = arith.cmpi ne, %convert_element_type3A_97, %cond3A_98 : i32
    scf.if %cond3A_99 {
      "tpu.region"() ({
        %run_scoped3A_100 = tpu.sem_alloc : memref<!tpu.dma_semaphore, #tpu.memory_space<semaphore_mem>>
        %dma_start3A_101 = arith.constant 0 : i32
        %dma_start3A_102 = tpu.memref_slice %arg7[%multiple_of3A, %dma_start3A_101] : memref<10112x128xf32, #tpu.memory_space<hbm>> -> memref<632x128xf32, #tpu.memory_space<hbm>>
        %dma_start3A_103 = arith.constant 0 : i32
        %dma_start3A_104 = tpu.memref_slice %arg8[%multiple_of3A, %dma_start3A_103] : memref<10112x128xf32, #tpu.memory_space<vmem_shared>> -> memref<632x128xf32, #tpu.memory_space<vmem_shared>>
        tpu.enqueue_dma source(%dma_start3A_104 : memref<632x128xf32, #tpu.memory_space<vmem_shared>>) target(%dma_start3A_102 : memref<632x128xf32, #tpu.memory_space<hbm>>) target_semaphore(%run_scoped3A_100 : memref<!tpu.dma_semaphore, #tpu.memory_space<semaphore_mem>>)
        %dma_wait3A = arith.constant 0 : i32
        %dma_wait3A_105 = tpu.memref_slice %arg7[%multiple_of3A, %dma_wait3A] : memref<10112x128xf32, #tpu.memory_space<hbm>> -> memref<632x128xf32, #tpu.memory_space<hbm>>
        %dma_wait3A_106 = arith.constant 0 : i32
        %dma_wait3A_107 = tpu.memref_slice %arg8[%multiple_of3A, %dma_wait3A_106] : memref<10112x128xf32, #tpu.memory_space<vmem_shared>> -> memref<632x128xf32, #tpu.memory_space<vmem_shared>>
        tpu.wait_dma2 semaphore(%run_scoped3A_100 : memref<!tpu.dma_semaphore, #tpu.memory_space<semaphore_mem>>) src(%dma_wait3A_107 : memref<632x128xf32, #tpu.memory_space<vmem_shared>>) dst(%dma_wait3A_105 : memref<632x128xf32, #tpu.memory_space<hbm>>)
        tpu.yield
      }) : () -> ()
    } else {
    }
    return
  }
}

module attributes {stable_mosaic.version = 14 : i64} {
  func.func @_eproj_body(%arg0: i32, %arg1: memref<16x6400xf32, #tpu.memory_space<vmem>>, %arg2: memref<16x128xf32, #tpu.memory_space<vmem>>, %arg3: memref<128xf32, #tpu.memory_space<vmem>>, %arg4: memref<6400x128xf32, #tpu.memory_space<vmem>>) attributes {dimension_semantics = [#tpu.dimension_semantics<arbitrary>], iteration_bounds = array<i64: 50>, scalar_prefetch = 0 : i64, scratch_operands = 0 : i64, tpu.core_type = #tpu.core_type<tc>, window_params = [{transform_indices = @transform_0, window_bounds = array<i64: 16, 6400>}, {pipeline_mode = #tpu.pipeline_mode<synchronous>, transform_indices = @transform_1, window_bounds = array<i64: 16, 128>}, {pipeline_mode = #tpu.pipeline_mode<synchronous>, transform_indices = @transform_2, window_bounds = array<i64: 128>}, {transform_indices = @transform_3, window_bounds = array<i64: 6400, 128>}]} {
    %get3A = arith.constant 0 : index
    %get3A_0 = arith.constant 0 : index
    %get3A_1 = vector.load %arg1[%get3A, %get3A_0] : memref<16x6400xf32, #tpu.memory_space<vmem>>, vector<16x6400xf32>
    %get3A_2 = arith.constant 0 : index
    %get3A_3 = arith.constant 0 : index
    %get3A_4 = vector.load %arg2[%get3A_2, %get3A_3] : memref<16x128xf32, #tpu.memory_space<vmem>>, vector<16x128xf32>
    %dot_general3A = arith.constant dense<0.000000e+00> : vector<6400x128xf32>
    %dot_general3A_5 = tpu.matmul %get3A_1, %get3A_4, %dot_general3A {dimension_numbers = #tpu.dot_dimension_numbers<[0], [0], [1], [1], [0, 1, 1, 1], [], []>, transpose_lhs_hint = false} : vector<16x6400xf32>, vector<16x128xf32>, vector<6400x128xf32> -> vector<6400x128xf32>
    %get3A_6 = arith.constant 0 : index
    %get3A_7 = vector.load %arg3[%get3A_6] : memref<128xf32, #tpu.memory_space<vmem>>, vector<128xf32>
    %broadcast_in_dim3A = vector.shape_cast %get3A_7 : vector<128xf32> to vector<1x128xf32>
    %add3A = vector.broadcast %broadcast_in_dim3A : vector<1x128xf32> to vector<6400x128xf32>
    %add3A_8 = arith.addf %dot_general3A_5, %add3A : vector<6400x128xf32>
    %swap3A = arith.constant 0 : index
    %swap3A_9 = arith.constant 0 : index
    %swap3A_10 = vector.load %arg4[%swap3A, %swap3A_9] : memref<6400x128xf32, #tpu.memory_space<vmem>>, vector<6400x128xf32>
    tpu.vector_store %arg4[%swap3A, %swap3A_9], %add3A_8 {strides = array<i32>} : memref<6400x128xf32, #tpu.memory_space<vmem>>, vector<6400x128xf32>,
    return
  }
  func.func @transform_0(%arg0: i32) -> (i32, i32) {
    %c0_i32 = arith.constant 0 : i32
    %c0_i32_0 = arith.constant 0 : i32
    return %c0_i32, %arg0 : i32, i32
  }
  func.func @transform_1(%arg0: i32) -> (i32, i32) {
    %c0_i32 = arith.constant 0 : i32
    %c0_i32_0 = arith.constant 0 : i32
    %c0_i32_1 = arith.constant 0 : i32
    return %c0_i32, %c0_i32_0 : i32, i32
  }
  func.func @transform_2(%arg0: i32) -> i32 {
    %c0_i32 = arith.constant 0 : i32
    %c0_i32_0 = arith.constant 0 : i32
    return %c0_i32 : i32
  }
  func.func @transform_3(%arg0: i32) -> (i32, i32) {
    %c0_i32 = arith.constant 0 : i32
    %c0_i32_0 = arith.constant 0 : i32
    return %arg0, %c0_i32 : i32, i32
  }
}

module attributes {stable_mosaic.version = 14 : i64} {
  func.func @_mlp_body(%arg0: i32, %arg1: memref<2000x128xf32, #tpu.memory_space<vmem>>, %arg2: memref<2000x128xf32, #tpu.memory_space<vmem>>, %arg3: memref<2000x128xf32, #tpu.memory_space<vmem>>, %arg4: memref<128x128xf32, #tpu.memory_space<vmem>>, %arg5: memref<128xf32, #tpu.memory_space<vmem>>, %arg6: memref<128x128xf32, #tpu.memory_space<vmem>>, %arg7: memref<128xf32, #tpu.memory_space<vmem>>, %arg8: memref<2000x128xf32, #tpu.memory_space<vmem>>) attributes {dimension_semantics = [#tpu.dimension_semantics<arbitrary>], iteration_bounds = array<i64: 5>, scalar_prefetch = 0 : i64, scratch_operands = 0 : i64, tpu.core_type = #tpu.core_type<tc>, window_params = [{transform_indices = @transform_0, window_bounds = array<i64: 2000, 128>}, {transform_indices = @transform_1, window_bounds = array<i64: 2000, 128>}, {transform_indices = @transform_2, window_bounds = array<i64: 2000, 128>}, {pipeline_mode = #tpu.pipeline_mode<synchronous>, transform_indices = @transform_3, window_bounds = array<i64: 128, 128>}, {pipeline_mode = #tpu.pipeline_mode<synchronous>, transform_indices = @transform_4, window_bounds = array<i64: 128>}, {pipeline_mode = #tpu.pipeline_mode<synchronous>, transform_indices = @transform_5, window_bounds = array<i64: 128, 128>}, {pipeline_mode = #tpu.pipeline_mode<synchronous>, transform_indices = @transform_6, window_bounds = array<i64: 128>}, {transform_indices = @transform_7, window_bounds = array<i64: 2000, 128>}]} {
    %get3A = arith.constant 0 : index
    %get3A_0 = arith.constant 0 : index
    %get3A_1 = vector.load %arg1[%get3A, %get3A_0] : memref<2000x128xf32, #tpu.memory_space<vmem>>, vector<2000x128xf32>
    %get3A_2 = arith.constant 0 : index
    %get3A_3 = arith.constant 0 : index
    %get3A_4 = vector.load %arg2[%get3A_2, %get3A_3] : memref<2000x128xf32, #tpu.memory_space<vmem>>, vector<2000x128xf32>
    %add3A = arith.addf %get3A_1, %get3A_4 : vector<2000x128xf32>
    %get3A_5 = arith.constant 0 : index
    %get3A_6 = arith.constant 0 : index
    %get3A_7 = vector.load %arg3[%get3A_5, %get3A_6] : memref<2000x128xf32, #tpu.memory_space<vmem>>, vector<2000x128xf32>
    %add3A_8 = arith.addf %add3A, %get3A_7 : vector<2000x128xf32>
    %get3A_9 = arith.constant 0 : index
    %get3A_10 = arith.constant 0 : index
    %get3A_11 = vector.load %arg4[%get3A_9, %get3A_10] : memref<128x128xf32, #tpu.memory_space<vmem>>, vector<128x128xf32>
    %dot_general3A = arith.constant dense<0.000000e+00> : vector<2000x128xf32>
    %dot_general3A_12 = tpu.matmul %add3A_8, %get3A_11, %dot_general3A {dimension_numbers = #tpu.dot_dimension_numbers<[1], [0], [0], [1], [0, 0, 1, 1], [], []>, transpose_lhs_hint = false} : vector<2000x128xf32>, vector<128x128xf32>, vector<2000x128xf32> -> vector<2000x128xf32>
    %get3A_13 = arith.constant 0 : index
    %get3A_14 = vector.load %arg5[%get3A_13] : memref<128xf32, #tpu.memory_space<vmem>>, vector<128xf32>
    %broadcast_in_dim3A = vector.shape_cast %get3A_14 : vector<128xf32> to vector<1x128xf32>
    %add3A_15 = vector.broadcast %broadcast_in_dim3A : vector<1x128xf32> to vector<2000x128xf32>
    %add3A_16 = arith.addf %dot_general3A_12, %add3A_15 : vector<2000x128xf32>
    %max3A = arith.constant 0.000000e+00 : f32
    %max3A_17 = vector.broadcast %max3A : f32 to vector<2000x128xf32>
    %max3A_18 = arith.maximumf %add3A_16, %max3A_17 : vector<2000x128xf32>
    %get3A_19 = arith.constant 0 : index
    %get3A_20 = arith.constant 0 : index
    %get3A_21 = vector.load %arg6[%get3A_19, %get3A_20] : memref<128x128xf32, #tpu.memory_space<vmem>>, vector<128x128xf32>
    %dot_general3A_22 = arith.constant dense<0.000000e+00> : vector<2000x128xf32>
    %dot_general3A_23 = tpu.matmul %max3A_18, %get3A_21, %dot_general3A_22 {dimension_numbers = #tpu.dot_dimension_numbers<[1], [0], [0], [1], [0, 0, 1, 1], [], []>, transpose_lhs_hint = false} : vector<2000x128xf32>, vector<128x128xf32>, vector<2000x128xf32> -> vector<2000x128xf32>
    %get3A_24 = arith.constant 0 : index
    %get3A_25 = vector.load %arg7[%get3A_24] : memref<128xf32, #tpu.memory_space<vmem>>, vector<128xf32>
    %broadcast_in_dim3A_26 = vector.shape_cast %get3A_25 : vector<128xf32> to vector<1x128xf32>
    %add3A_27 = vector.broadcast %broadcast_in_dim3A_26 : vector<1x128xf32> to vector<2000x128xf32>
    %add3A_28 = arith.addf %dot_general3A_23, %add3A_27 : vector<2000x128xf32>
    %swap3A = arith.constant 0 : index
    %swap3A_29 = arith.constant 0 : index
    %swap3A_30 = vector.load %arg8[%swap3A, %swap3A_29] : memref<2000x128xf32, #tpu.memory_space<vmem>>, vector<2000x128xf32>
    tpu.vector_store %arg8[%swap3A, %swap3A_29], %add3A_28 {strides = array<i32>} : memref<2000x128xf32, #tpu.memory_space<vmem>>, vector<2000x128xf32>,
    return
  }
  func.func @transform_0(%arg0: i32) -> (i32, i32) {
    %c0_i32 = arith.constant 0 : i32
    %c0_i32_0 = arith.constant 0 : i32
    return %arg0, %c0_i32 : i32, i32
  }
  func.func @transform_1(%arg0: i32) -> (i32, i32) {
    %c0_i32 = arith.constant 0 : i32
    %c0_i32_0 = arith.constant 0 : i32
    return %arg0, %c0_i32 : i32, i32
  }
  func.func @transform_2(%arg0: i32) -> (i32, i32) {
    %c0_i32 = arith.constant 0 : i32
    %c0_i32_0 = arith.constant 0 : i32
    return %arg0, %c0_i32 : i32, i32
  }
  func.func @transform_3(%arg0: i32) -> (i32, i32) {
    %c0_i32 = arith.constant 0 : i32
    %c0_i32_0 = arith.constant 0 : i32
    %c0_i32_1 = arith.constant 0 : i32
    return %c0_i32, %c0_i32_0 : i32, i32
  }
  func.func @transform_4(%arg0: i32) -> i32 {
    %c0_i32 = arith.constant 0 : i32
    %c0_i32_0 = arith.constant 0 : i32
    return %c0_i32 : i32
  }
  func.func @transform_5(%arg0: i32) -> (i32, i32) {
    %c0_i32 = arith.constant 0 : i32
    %c0_i32_0 = arith.constant 0 : i32
    %c0_i32_1 = arith.constant 0 : i32
    return %c0_i32, %c0_i32_0 : i32, i32
  }
  func.func @transform_6(%arg0: i32) -> i32 {
    %c0_i32 = arith.constant 0 : i32
    %c0_i32_0 = arith.constant 0 : i32
    return %c0_i32 : i32
  }
  func.func @transform_7(%arg0: i32) -> (i32, i32) {
    %c0_i32 = arith.constant 0 : i32
    %c0_i32_0 = arith.constant 0 : i32
    return %arg0, %c0_i32 : i32, i32
  }
}

</mosaic_0001>

<sc_bundles>
// kernel: kernel.5.cloned.1.call-start
scs
__scs_entry_jumppad:
0x0: {  	(pc) =	sbr.rel $0x88, $3  }
0x1: {  	(tag) =	ssettag $0x0;
	lr =	simm.s32 $0x1  }
0x2: {  	[smem:$0x3F97] =	sst lr;
	_ =	strace $0xD0000000  }
0x3: {  	_ = 	snop  }
0x4: {  	_ = 	snop  }
0x5: {  	_ = 	snop  }
0x6: {  	_ = 	snop  }
0x7: {  	_ = 	snop  }
__scs_overlays_trampoline_lowered:
0x8: {  	[smem:$0x3FA6] =	sst s0  }
0x9: {  	[smem:$0x3FA7] =	sst s1  }
0xa: {  	[smem:$0x3FA8] =	sst s2  }
0xb: {  	[smem:$0x3FA9] =	sst s3  }
0xc: {  	[smem:$0x3FAA] =	sst s4  }
0xd: {  	[smem:$0x3FAB] =	sst s5  }
0xe: {  	[smem:$0x3FAC] =	sst s6  }
0xf: {  	[smem:$0x3FAD] =	sst s7  }
0x10: {  	[smem:$0x3FAE] =	sst s8  }
0x11: {  	[smem:$0x3FAF] =	sst s9;
	s0 =	simm.s32 @!p0 $0x0  }
0x12: {  	s1 =	sld [smem:$0x3F95];
	s0 =	simm.s32 @p0 $0x1  }
0x13: {  	[smem:$0x3FB0] =	sst s0;
	s0 =	simm.s32 @!p1 $0x0  }
0x14: {  	s2 =	sld [smem:$0x3F94];
	s0 =	simm.s32 @p1 $0x1  }
0x15: {  	[smem:$0x3FB1] =	sst s0;
	s0 =	simm.s32 @!p2 $0x0  }
0x16: {  	s3 =	sld [smem:$0x3FDB];
	s0 =	simm.s32 @p2 $0x1  }
0x17: {  	s4 =	simm.s32 $0x1BF5;
	[smem:$0x3FB3] =	sst s0  }
0x18: {  	s0 =	sld [smem:$0x3F96];
	_ =	swait.ge [sflag:s4], $0x0  }
0x19: {  	s7 =	sld [smem:$0x3F97]  }
0x1a: {  	s8 =	sadd.s32 $0xFFFFE003, lr  }
0x1b: {  	s9 =	sadd.s32 $0xFFFFFEF7, lr;
	s5 =	simm.s32 $0xFFFFFFFF;
	p2 =	slt.u32 s8, $0xFFFFF086  }
0x1c: {  	p1 =	slt.u32 s9, $0xF7A;
	s5 =	simm.s32 @!p2 $0x0  }
0x1d: {  	s5 =	simm.s32 @p1 $0x1;
	p0 =	seq.s32 s7, s2  }
0x1e: {  	s7 =	smul.u32 @!p0 $0xF7A, s2;
	p2 =	seq.s32 @!p0 s5, $0x0  }
0x1f: {  	s9 =	smul.u32 $0xF7A, s1;
	s8 =	simm.s32 @!p0 $0x1BF5;
	p2 =	por !p2, p0  }
0x20: {  	[sflag:s8] =	ssyncset.s32 @!p0 $0xFFFFF086;
	s6 =	sadd.s32 @!p0 s3, s7;
	s7 =	simm.s32 @!p0 $0x108  }
0x21: {  	s3 =	sadd.s32 s3, s9;
	s6 =	sadd.s32 @!p0 $0x88, s6;
	s7 =	simm.s32 @p2 $0x1082  }
0x22: {  	[simem:s7], [sflag:s8] =	dma.local @!p0 [hbm:s6], $0xF7A  }
0x23: {  	s9 =	sor.u32 $0xD0000000, s2;
	s6 =	simm.s32 $0x108;
	_ =	swait.ge @!p0 [sflag:s8], $0x0  }
0x24: {  	s3 =	sadd.s32 $0x88, s3;
	s6 =	simm.s32 @!p1 $0x1082;
	[sflag:s4] =	ssyncset.s32 $0xFFFFF086  }
0x25: {  	[simem:s6], [sflag:s4] =	dma.local [hbm:s3], $0xF7A  }
0x26: {  	[smem:$0x3F97] =	sst s1;
	(tag) =	ssettag s2;
	_ =	strace s9  }
0x27: {  	s1 =	sld [smem:$0x3FA7]  }
0x28: {  	s2 =	sld [smem:$0x3FA8]  }
0x29: {  	s4 =	sld [smem:$0x3FAA]  }
0x2a: {  	p0 =	seq.s32 s5, $0x0;
	s5 =	sld [smem:$0x3FAB]  }
0x2b: {  	s6 =	sld [smem:$0x3FAC]  }
0x2c: {  	s7 =	sld [smem:$0x3FAD]  }
0x2d: {  	s3 =	simm.s32 $0x108;
	s8 =	sld [smem:$0x3FAE]  }
0x2e: {  	s3 =	simm.s32 @!p0 $0x1082;
	s9 =	sld [smem:$0x3FAF]  }
0x2f: {  	lr =	sadd.s32 s0, s3;
	s0 =	sld [smem:$0x3FA6]  }
0x30: {  	s3 =	sld [smem:$0x3FA9]  }
0x31: {  	[smem:$0x3FB2] =	sst s10  }
0x32: {  	s10 =	sld [smem:$0x3FB0];
	_ =	sdelay $0x3  }
0x33: {  	p0 =	seq.s32 s10, $0x1;
	s10 =	sld [smem:$0x3FB2];
	_ =	sdelay $0x3  }
0x34: {  	[smem:$0x3FB2] =	sst s10  }
0x35: {  	s10 =	sld [smem:$0x3FB1];
	_ =	sdelay $0x3  }
0x36: {  	p1 =	seq.s32 s10, $0x1;
	s10 =	sld [smem:$0x3FB2];
	_ =	sdelay $0x3  }
0x37: {  	[smem:$0x3FB2] =	sst s10  }
0x38: {  	s10 =	sld [smem:$0x3FB3]  }
0x39: {  	_ = 	snop;
	(pc) =	sbr.ind lr, $3  }
0x3a: {  	_ = 	snop  }
0x3b: {  	_ = 	snop  }
0x3c: {  	p2 =	seq.s32 s10, $0x1;
	s10 =	sld [smem:$0x3FB2]  }
0x3d: {  	_ =	shalt  }
0x3e: {  	_ =	shalt  }
0x3f: {  	_ =	shalt  }
0x40: {  	_ =	shalt  }
0x41: {  	_ =	shalt  }
0x42: {  	_ =	shalt  }
0x43: {  	_ =	shalt  }
0x44: {  	_ =	shalt  }
0x45: {  	_ =	shalt  }
0x46: {  	_ =	shalt  }
0x47: {  	_ =	shalt  }
0x48: {  	_ =	shalt  }
0x49: {  	_ =	shalt  }
0x4a: {  	_ =	shalt  }
0x4b: {  	_ =	shalt  }
0x4c: {  	_ =	shalt  }
0x4d: {  	_ =	shalt  }
0x4e: {  	_ =	shalt  }
0x4f: {  	_ =	shalt  }
0x50: {  	_ =	shalt  }
0x51: {  	_ =	shalt  }
0x52: {  	_ =	shalt  }
0x53: {  	_ =	shalt  }
0x54: {  	_ =	shalt  }
0x55: {  	_ =	shalt  }
0x56: {  	_ =	shalt  }
0x57: {  	_ =	shalt  }
0x58: {  	_ =	shalt  }
0x59: {  	_ =	shalt  }
0x5a: {  	_ =	shalt  }
0x5b: {  	_ =	shalt  }
0x5c: {  	_ =	shalt  }
0x5d: {  	_ =	shalt  }
0x5e: {  	_ =	shalt  }
0x5f: {  	_ =	shalt  }
0x60: {  	_ =	shalt  }
0x61: {  	_ =	shalt  }
0x62: {  	_ =	shalt  }
0x63: {  	_ =	shalt  }
0x64: {  	_ =	shalt  }
0x65: {  	_ =	shalt  }
0x66: {  	_ =	shalt  }
0x67: {  	_ =	shalt  }
0x68: {  	_ =	shalt  }
0x69: {  	_ =	shalt  }
0x6a: {  	_ =	shalt  }
0x6b: {  	_ =	shalt  }
0x6c: {  	_ =	shalt  }
0x6d: {  	_ =	shalt  }
0x6e: {  	_ =	shalt  }
0x6f: {  	_ =	shalt  }
0x70: {  	_ =	shalt  }
0x71: {  	_ =	shalt  }
0x72: {  	_ =	shalt  }
0x73: {  	_ =	shalt  }
0x74: {  	_ =	shalt  }
0x75: {  	_ =	shalt  }
0x76: {  	_ =	shalt  }
0x77: {  	_ =	shalt  }
0x78: {  	_ =	shalt  }
0x79: {  	_ =	shalt  }
0x7a: {  	_ =	shalt  }
0x7b: {  	_ =	shalt  }
0x7c: {  	_ =	shalt  }
0x7d: {  	_ =	shalt  }
0x7e: {  	_ =	shalt  }
0x7f: {  	_ =	shalt  }
0x80: {  	_ =	shalt  }
0x81: {  	_ =	shalt  }
0x82: {  	_ =	shalt  }
0x83: {  	_ =	shalt  }
0x84: {  	_ =	shalt  }
0x85: {  	_ =	shalt  }
0x86: {  	_ =	shalt  }
0x87: {  	_ =	shalt  }
.Lfunc_end0:
.L_simem_size_0:
called_computation_lowered:
.L_overlay_start_0:
0x88: {  	s2 =	sld [smem:$0x3FD9]  }
0x89: {  	s3 =	sld [smem:$0x3FFE];
	_ =	sdelay $0x1  }
0x8a: {  	s1 =	srdreg.scid  }
0x8b: {  	s0 =	sand.u32 $0x1, s1  }
0x8c: {  	s14 =	sshll.u32 s0, $0xA;
	s2 =	sadd.s32 s3, s2  }
0x8d: {  	s2 =	sadd.s32 s2, s14  }
0x8e: {  	[smem:$0x3FBE] =	sst s2  }
0x8f: {  	_ = 	snop  }
0x90: {  	s2 =	sld [smem:$0x3FD0];
	_ =	sdelay $0x2  }
0x91: {  	s4 =	simm.s32 $0xA;
	s5 =	simm.s32 $0x10;
	s15 =	sld [smem:$0x3FC9]  }
0x92: {  	[smem:s5], [sflag:s4] =	dma.local [hbm:s2], $0x1  }
0x93: {  	_ =	swait.eq [sflag:s4], $0x1  }
0x94: {  	[sflag:s4] =	ssyncset.done $0x0  }
0x95: {  	[sflag:s4] =	ssyncadd.s32 $0xFFFFFFFF  }
0x96: {  	s16 =	sld [smem:$0x10];
	(tm) =	ssettm $0x1  }
0x97: {  	s17 =	sld [smem:$0x3FFB];
	_ =	sdelay $0x3  }
0x98: {  	_ =	strace s17  }
0x99: {  	s4 =	sld [smem:$0x3FFC];
	_ =	sdelay $0x3  }
0x9a: {  	_ =	strace s4  }
0x9b: {  	s4 =	sld [smem:$0x3FFD];
	_ =	sdelay $0x3  }
0x9c: {  	_ =	strace s4  }
0x9d: {  	_ =	strace $0x8FFFFFFF  }
0x9e: {  	s18 =	sld [smem:$0x3FDB];
	_ =	sdelay $0x1  }
0x9f: {  	s19 =	simm.s32 $_scs_section_size  }
0xa0: {  	s6 =	simm.s32 $_size__tile_overlayer_lowered;
	s7 =	simm.s32 $_tile_overlayer_lowered  }
0xa1: {  	s22 =	simm.s32 $0x1BFF;
	s21 =	sshll.u32 s7, $0x1;
	s4 =	sadd.s32 s19, s18  }
0xa2: {  	s8 =	simm.s32 $0x0;
	s20 =	sshll.u32 s6, $0x1;
	s6 =	sadd.s32 s21, s4  }
0xa3: {  	[timem:s8], [sflag:s22] =	dma.local [hbm:s6], s20  }
0xa4: {  	_ =	swait.ge [sflag:s22], s20  }
0xa5: {  	s5 =	ssub.s32 $0x0, s20;
	[sflag:s22] =	ssyncset.done $0x0  }
0xa6: {  	[sflag:s22] =	ssyncadd.s32 s5;
	_ =	sdelay $0x1  }
0xa7: {  	s23 =	simm.s32 $0x1B8B  }
0xa8: {  	_ =	swait.ge [sflag:s23], $0x1  }
0xa9: {  	[sflag:s23] =	ssyncset.done $0x0  }
0xaa: {  	s25 =	simm.s32 $0x1B8E;
	s24 =	sld [smem:$0x3FFE];
	[sflag:s23] =	ssyncadd.s32 $0xFFFFFFFF  }
0xab: {  	s26 =	simm.s32 $execute0_lowered;
	[smem:$0x3FD2] =	sst s25  }
0xac: {  	s6 =	sshll.u32 s26, $0x1;
	_ =	strace $0x80000046;
	[dreg:$0x1] =	wrdreg $0xFFFFFFFF  }
0xad: {  	s28 =	simm.s32 $_size_execute0_lowered;
	s4 =	sadd.s32 s4, s6;
	[dreg:$0x0] =	wrdreg $0x0  }
0xae: {  	s6 =	sshll.u32 s28, $0x1;
	[dreg:$0x2] =	wrdreg s4  }
0xaf: {  	[dreg:$0x3] =	wrdreg s6  }
0xb0: {  	[dreg:$0x4] =	wrdreg $0xC0  }
0xb1: {  	_ =	task [dreg:s8], $0x5FFFF  }
0xb2: {  	[dreg:$0x1] =	wrdreg $0xFFFFFFFF  }
0xb3: {  	[dreg:$0x0] =	wrdreg $0x60  }
0xb4: {  	[dreg:$0x2] =	wrdreg s15  }
0xb5: {  	[dreg:$0x3] =	wrdreg s16  }
0xb6: {  	[dreg:$0x4] =	wrdreg s24  }
0xb7: {  	[dreg:$0x5] =	wrdreg $0x0  }
0xb8: {  	[dreg:$0x6] =	wrdreg $0x9  }
0xb9: {  	_ =	task.clear_ibuf [dreg:s8], $0x7FFFF;
	_ =	strace $0x90000046  }
0xba: {  	s29 =	simm.s32 $0x9;
	_ =	strace $0x80000048  }
0xbb: {  	_ =	swait.ge [sflag:s29], $0x1  }
0xbc: {  	[sflag:s29] =	ssyncadd.s32 $0xFFFFFFFF  }
0xbd: {  	_ =	strace $0x90000048  }
0xbe: {  	_ =	sfence  }
0xbf: {  	s30 =	sld [smem:$0x0];
	_ =	sdelay $0x2  }
0xc0: {  	s31 =	sshll.u32 s1, $0xD;
	s1 =	sshrl.u32 s1, $0x2  }
0xc1: {  	s3 =	sand.u32 $0x4000, s31;
	s1 =	sadd.s32 s1, s30  }
0xc2: {  	s0 =	sor.u32 s3, s0;
	s1 =	sshll.u32 s1, $0x11  }
0xc3: {  	s0 =	sor.u32 s1, s0  }
0xc4: {  	s0 =	sadd.s32 $0x8F2B, s0  }
0xc5: {  	[sflag:s0] =	ssyncadd.remote.s32 $0x1  }
0xc6: {  	_ =	sfence.sel $0xFFFF  }
0xc7: {  	[dreg:$0x0] =	wrdreg $0xFFFFFFFF;
	(pc) =	sbr.abs _section_cstart, $3  }
0xc8: {  	[dreg:$0x1] =	wrdreg $0xFFFFFFFF  }
0xc9: {  	_ =	task.clear_ibuf [dreg:s8], $0x2FFFF;
	_ =	strace $0x9FFFFFFF  }
0xca: {  	(tm) =	ssettm $0x7FFFFFFF  }
0xcb: {  	_ =	shalt  }
tec
execute0_lowered:
.L_overlay_start_1:
0x0: {  	(tag) =	ssettag $0x1  }
0x1: {  	s1 =	rddreg [dreg:$0x0]  }
0x2: {  	s2 =	rddreg [dreg:$0x1]  }
0x3: {  	s0 =	rddreg [dreg:$0x2]  }
0x4: {  	s3 =	rddreg [dreg:$0x3];
	s4 =	simm.s32 $0x0  }
0x5: {  	s5 =	srdreg.scid;
	s13 =	stileid.u32;
	s17 =	simm.s32 $0x5  }
0x6: {  	s18 =	simm.s32 $0x13C00;
	s19 =	simm.s32 $0x50;
	s20 =	simm.s32 $0x18E00  }
0x7: {  	s28 =	simm.s32 $0x13C80;
	s29 =	simm.s32 $0x2;
	s30 =	simm.s32 $0x4  }
0x8: {  	s31 =	simm.s32 $0x13D80;
	[smem:$0x7FF] =	sst s4;
	s5 =	sand.u32 $0x1, s5  }
0x9: {  	s8 =	smul.u32 $0x4F000, s13;
	s12 =	sadd.s32 $0x4E3C00, s0;
	s22 =	sshll.u32 s13, $0x6  }
0xa: {  	s26 =	smul.u32 $0x2780, s13;
	_ =	strace $0x80000047;
	s6 =	sshll.u32 s5, $0x4  }
0xb: {  	s7 =	ssub.s32 $0x2, s5;
	[dreg:$0x5] =	wrdreg s12;
	p0 =	seq.s32 s5, $0x1  }
0xc: {  	s5 =	simm.s32 $0x50DC00;
	s9 =	sor.u32 s13, s6;
	s6 =	sadd.s32 $0x1C00, s0  }
0xd: {  	s10 =	sshrl.u32 s7, $0x1;
	s8 =	sshrl.u32 s8, $0x2;
	s11 =	smul.u32 $0x7D, s9  }
0xe: {  	s5 =	simm.s32 @!p0 $0x4E6400;
	s7 =	ssub.s32 s7, s10;
	s21 =	smul.u32 $0xFA0, s9  }
0xf: {  	s9 =	smul.u32 $0x27100, s9;
	s16 =	sadd.s32 s8, s3;
	s0 =	sadd.s32 s5, s0  }
0x10: {  	s8 =	sor.u32 $0x1C05, s22;
	s14 =	smax.u32 s7, $0x1;
	s15 =	sadd.s32 s0, s26  }
0x11: {  	s16 =	sshrl.u32 s16, $0x3;
	s26 =	simm.s32 $0x3;
	s0 =	simm.s32 $0x0  }
.Ltmp0:
0x12: {  	s23 =	sadd.s32 $0x1, s11;
	s10 =	sadd.s32 s2, s21;
	(pc) =	sbr.rel .LBB2_1-.Ltmp0, $4  }
0x13: {  	s9 =	sadd.s32 s6, s9;
	s13 =	sadd.s32 $0x2, s11;
	s21 =	simm.s32 $0x13E00  }
0x14: {  	[dreg:$0x6] =	wrdreg s10;
	s24 =	sshll.u32 s23, $0x5;
	s25 =	smul.u32 $0x500, s23  }
0x15: {  	[dreg:$0x7] =	wrdreg s9;
	s9 =	sadd.s32 s2, s24;
	s24 =	simm.s32 $0x16600  }
0x16: {  	[dreg:$0x8] =	wrdreg s9;
	s12 =	sadd.s32 s6, s25;
	s25 =	simm.s32 $0x1  }
.LBB2_10:
0x17: {  	s0 =	sadd.s32 $0x1, s0  }
0x18: {  	p0 =	sne.s32 s0, s14  }
.Ltmp1:
0x19: {  	[bflag:$0x0] =	sbarrier.arrive $0xFFFF;
	(pc) =	sbr.rel @!p0 .LBB2_11-.Ltmp1, $4  }
0x1a: {  	[hbm:s15], [sflag:s8] =	dma.local [spmem:s16], $0x2780  }
0x1b: {  	_ =	swait.ge [sflag:s17], $0x2780  }
0x1c: {  	[sflag:s17] =	ssyncset.done $0x0  }
0x1d: {  	[sflag:s17] =	ssyncadd.s32 $0xFFFFD880  }
.LBB2_1:
0x1e: {  	s5 =	rddreg [dreg:$0x5]  }
0x1f: {  	[spmem:s16], [sflag:s8] =	dma.local [hbm:s5], $0x2780  }
0x20: {  	_ =	swait.ge [sflag:s17], $0x2780  }
0x21: {  	[sflag:s17] =	ssyncset.done $0x0  }
0x22: {  	[sflag:s17] =	ssyncadd.s32 $0xFFFFD880  }
0x23: {  	[bflag:$0x0] =	sbarrier.arrive $0xFFFF  }
0x24: {  	s10 =	rddreg [dreg:$0x6]  }
0x25: {  	[tilespmem:s18], [sflag:$0x5] =	stream.linear.gather [hbm4b:s10+s4], $0x100, $0x38;
	[tilespmem:$0x1DE00] =	vst v63  }
0x26: {  	_ =	swait.ge [sflag:s17], $0x100  }
0x27: {  	[sflag:s17] =	ssyncset.done $0x0  }
0x28: {  	[sflag:s17] =	ssyncadd.s32 $0xFFFFFF00  }
0x29: {  	[tilespmem:s20], [sflag:$0x1] =	stream.indirect.gather [hbm4b:s1+s19], $0x80, s18, s19, $0xb8;
	[tilespmem:$0x1DE00] =	vst v63  }
0x2a: {  	s11 =	rddreg [dreg:$0x7]  }
0x2b: {  	[tilespmem:s21], [sflag:$0x3] =	stream.linear.gather [hbm4b:s11+s4], $0x2800, $0x38;
	[tilespmem:$0x1DE00] =	vst v63  }
0x2c: {  	s7 =	simm.s32 $0x13D00;
	s22 =	rddreg [dreg:$0x8]  }
0x2d: {  	[tilespmem:s7], [sflag:$0x5] =	stream.linear.gather [hbm4b:s22+s4], $0x100, $0x38;
	[tilespmem:$0x1DE00] =	vst v63  }
0x2e: {  	_ =	swait.ge [sflag:s17], $0x100  }
.Ltmp2:
0x2f: {  	[sflag:s17] =	ssyncset.done $0x0;
	(pc) =	sbr.rel .LBB2_2-.Ltmp2, $4  }
0x30: {  	s23 =	simm.s32 $0x1B600;
	[sflag:s17] =	ssyncadd.s32 $0xFFFFFF00  }
0x31: {  	[tilespmem:s23], [sflag:$0x2] =	stream.indirect.gather [hbm4b:s1+s19], $0x80, s7, s19, $0xb8;
	[tilespmem:$0x1DE00] =	vst v63  }
0x32: {  	s5 =	simm.s32 $0x0  }
0x33: {  	[tilespmem:s24], [sflag:$0x4] =	stream.linear.gather [hbm4b:s12+s4], $0x2800, $0x38;
	[tilespmem:$0x1DE00] =	vst v63  }
.LBB2_9:
0x34: {  	s5 =	sadd.s32 $0x1, s5  }
0x35: {  	p0 =	sne.s32 s5, $0x3F  }
.Ltmp3:
0x36: {  	_ = 	snop;
	(pc) =	sbr.rel @!p0 .LBB2_10-.Ltmp3, $1  }
0x37: {  	_ =	sdelay $0x3  }
.LBB2_2:
0x38: {  	_ =	swait.ge [sflag:s25], $0x2800  }
0x39: {  	[sflag:s25] =	ssyncset.done $0x0  }
0x3a: {  	[sflag:s25] =	ssyncadd.s32 $0xFFFFD800  }
0x3b: {  	_ =	swait.ge [sflag:s26], $0x2800  }
0x3c: {  	[sflag:s26] =	ssyncset.done $0x0  }
0x3d: {  	s23 =	simm.s32 $0x18F00;
	[sflag:s26] =	ssyncadd.s32 $0xFFFFD800  }
0x3e: {  	s7 =	simm.s32 $0x13F00;
	v0 =	vld [tilespmem:s23+$0x80]  }
0x3f: {  	v1 =	vld [tilespmem:s7+$0x80]  }
0x40: {  	v2 =	vld [tilespmem:s7+$0xFFFFFF00]  }
0x41: {  	v3 =	vld [tilespmem:s23+$0xFFFFFF80]  }
0x42: {  	v4 =	vld [tilespmem:s7+$0xFFFFFF80]  }
0x43: {  	v5 =	vld [tilespmem:s7+$0x0]  }
0x44: {  	v0 =	vadd.f32 v1, v0;
	v1 =	vld [tilespmem:s23+$0x0]  }
0x45: {  	v6 =	vld [tilespmem:s23+$0xFFFFFF00]  }
0x46: {  	v0 =	vmax.f32 v0, $0.0e+00  }
0x47: {  	v3 =	vadd.f32 v4, v3;
	[tilespmem:s7+$0x80] =	vst v0;
	v0 =	vld [tilespmem:s7+$0x90]  }
0x48: {  	v7 =	vld [tilespmem:s23+$0x90]  }
0x49: {  	v8 =	vld [tilespmem:s7+$0xFFFFFF90];
	v3 =	vmax.f32 v3, $0.0e+00;
	v1 =	vadd.f32 v5, v1  }
0x4a: {  	v4 =	vld [tilespmem:s7+$0xFFFFFF10];
	v2 =	vadd.f32 v2, v6;
	[tilespmem:s7+$0xFFFFFF80] =	vst v3  }
0x4b: {  	v5 =	vld [tilespmem:s23+$0xFFFFFF90];
	v1 =	vmax.f32 v1, $0.0e+00  }
0x4c: {  	v2 =	vmax.f32 v2, $0.0e+00;
	v3 =	vld [tilespmem:s7+$0x10];
	[tilespmem:s7+$0x0] =	vst v1  }
0x4d: {  	[tilespmem:s7+$0xFFFFFF00] =	vst v2;
	v0 =	vadd.f32 v0, v7;
	v1 =	vld [tilespmem:s23+$0x10]  }
0x4e: {  	v2 =	vld [tilespmem:s23+$0xFFFFFF10]  }
0x4f: {  	v0 =	vmax.f32 v0, $0.0e+00  }
0x50: {  	v5 =	vadd.f32 v8, v5;
	[tilespmem:s7+$0x90] =	vst v0;
	v0 =	vld [tilespmem:s7+$0xA0]  }
0x51: {  	v7 =	vld [tilespmem:s23+$0xA0]  }
0x52: {  	v6 =	vld [tilespmem:s7+$0xFFFFFF20];
	v5 =	vmax.f32 v5, $0.0e+00;
	v1 =	vadd.f32 v3, v1  }
0x53: {  	v2 =	vadd.f32 v4, v2;
	v8 =	vld [tilespmem:s7+$0xFFFFFFA0];
	[tilespmem:s7+$0xFFFFFF90] =	vst v5  }
0x54: {  	v4 =	vld [tilespmem:s23+$0xFFFFFFA0];
	v1 =	vmax.f32 v1, $0.0e+00  }
0x55: {  	v2 =	vmax.f32 v2, $0.0e+00;
	v3 =	vld [tilespmem:s7+$0x20];
	[tilespmem:s7+$0x10] =	vst v1  }
0x56: {  	[tilespmem:s7+$0xFFFFFF10] =	vst v2;
	v0 =	vadd.f32 v0, v7;
	v1 =	vld [tilespmem:s23+$0x20]  }
0x57: {  	v2 =	vld [tilespmem:s23+$0xFFFFFF20]  }
0x58: {  	v0 =	vmax.f32 v0, $0.0e+00  }
0x59: {  	v4 =	vadd.f32 v8, v4;
	[tilespmem:s7+$0xA0] =	vst v0;
	v0 =	vld [tilespmem:s7+$0xB0]  }
0x5a: {  	v7 =	vld [tilespmem:s23+$0xB0]  }
0x5b: {  	v9 =	vld [tilespmem:s7+$0x30];
	v4 =	vmax.f32 v4, $0.0e+00;
	v1 =	vadd.f32 v3, v1  }
0x5c: {  	v2 =	vadd.f32 v6, v2;
	v8 =	vld [tilespmem:s7+$0xFFFFFFB0];
	[tilespmem:s7+$0xFFFFFFA0] =	vst v4  }
0x5d: {  	v3 =	vld [tilespmem:s23+$0xFFFFFFB0];
	v1 =	vmax.f32 v1, $0.0e+00  }
0x5e: {  	v5 =	vld [tilespmem:s7+$0xFFFFFF30];
	[tilespmem:s7+$0x20] =	vst v1;
	v1 =	vmax.f32 v2, $0.0e+00  }
0x5f: {  	v0 =	vadd.f32 v0, v7;
	[tilespmem:s7+$0xFFFFFF20] =	vst v1;
	v1 =	vld [tilespmem:s23+$0x30]  }
0x60: {  	v6 =	vld [tilespmem:s23+$0xFFFFFF30]  }
0x61: {  	v10 =	vld [tilespmem:s7+$0xFFFFFF40];
	v0 =	vmax.f32 v0, $0.0e+00  }
0x62: {  	v3 =	vadd.f32 v8, v3;
	[tilespmem:s7+$0xB0] =	vst v0;
	v0 =	vld [tilespmem:s7+$0xC0]  }
0x63: {  	v7 =	vld [tilespmem:s23+$0xC0]  }
0x64: {  	v11 =	vld [tilespmem:s7+$0xFFFFFFD0];
	v3 =	vmax.f32 v3, $0.0e+00;
	v1 =	vadd.f32 v9, v1  }
0x65: {  	v4 =	vld [tilespmem:s7+$0xFFFFFFC0];
	[tilespmem:s7+$0xFFFFFFB0] =	vst v3;
	v5 =	vadd.f32 v5, v6  }
0x66: {  	v6 =	vld [tilespmem:s23+$0xFFFFFFC0];
	v1 =	vmax.f32 v1, $0.0e+00  }
0x67: {  	v2 =	vld [tilespmem:s7+$0x40];
	[tilespmem:s7+$0x30] =	vst v1;
	v1 =	vmax.f32 v5, $0.0e+00  }
0x68: {  	v0 =	vadd.f32 v0, v7;
	v5 =	vld [tilespmem:s23+$0x40];
	[tilespmem:s7+$0xFFFFFF30] =	vst v1  }
0x69: {  	v1 =	vld [tilespmem:s23+$0xFFFFFF40]  }
0x6a: {  	v8 =	vld [tilespmem:s7+$0xFFFFFF50];
	v0 =	vmax.f32 v0, $0.0e+00  }
0x6b: {  	[tilespmem:s7+$0xC0] =	vst v0;
	v0 =	vadd.f32 v4, v6;
	v6 =	vld [tilespmem:s7+$0xD0]  }
0x6c: {  	v7 =	vld [tilespmem:s23+$0xD0]  }
0x6d: {  	v3 =	vld [tilespmem:s7+$0xFFFFFF60];
	v0 =	vmax.f32 v0, $0.0e+00;
	v2 =	vadd.f32 v2, v5  }
0x6e: {  	v9 =	vld [tilespmem:s7+$0x50];
	[tilespmem:s7+$0xFFFFFFC0] =	vst v0;
	v0 =	vadd.f32 v10, v1  }
0x6f: {  	v1 =	vld [tilespmem:s23+$0xFFFFFFD0];
	v2 =	vmax.f32 v2, $0.0e+00  }
0x70: {  	v4 =	vld [tilespmem:s7+$0xFFFFFFE0];
	[tilespmem:s7+$0x40] =	vst v2;
	v0 =	vmax.f32 v0, $0.0e+00  }
0x71: {  	v2 =	vld [tilespmem:s23+$0x50];
	v6 =	vadd.f32 v6, v7;
	[tilespmem:s7+$0xFFFFFF40] =	vst v0  }
0x72: {  	v0 =	vld [tilespmem:s23+$0xFFFFFF50]  }
0x73: {  	v5 =	vld [tilespmem:s7+$0x60];
	v6 =	vmax.f32 v6, $0.0e+00  }
0x74: {  	v1 =	vadd.f32 v11, v1;
	[tilespmem:s7+$0xD0] =	vst v6;
	v6 =	vld [tilespmem:s7+$0xE0]  }
0x75: {  	v10 =	vld [tilespmem:s23+$0xE0]  }
0x76: {  	v1 =	vmax.f32 v1, $0.0e+00;
	v7 =	vadd.f32 v9, v2;
	v2 =	vld [tilespmem:s7+$0xFFFFFF70]  }
0x77: {  	[tilespmem:s7+$0xFFFFFFD0] =	vst v1;
	v0 =	vadd.f32 v8, v0;
	v1 =	vld [tilespmem:s7+$0xFFFFFFF0]  }
0x78: {  	v8 =	vmax.f32 v7, $0.0e+00;
	v7 =	vld [tilespmem:s23+$0xFFFFFFE0]  }
0x79: {  	[tilespmem:s7+$0x50] =	vst v8;
	v8 =	vmax.f32 v0, $0.0e+00;
	v0 =	vld [tilespmem:s7+$0x70]  }
0x7a: {  	[tilespmem:s7+$0xFFFFFF50] =	vst v8;
	v8 =	vld [tilespmem:s23+$0x60];
	v6 =	vadd.f32 v6, v10  }
0x7b: {  	v9 =	vld [tilespmem:s23+$0xFFFFFF60]  }
0x7c: {  	s10 =	simm.s32 $0x0;
	s22 =	simm.s32 $0x19100;
	s9 =	simm.s32 $0x13F00;
	v10 =	vmax.f32 v6, $0.0e+00;
	v6 =	vld [tilespmem:s7+$0xF0]  }
.LBB2_3:
0x7d: {  	v11 =	vld [tilespmem:s22+$0x80];
	v4 =	vadd.f32 v4, v7;
	[tilespmem:s7+$0xE0] =	vst v10  }
0x7e: {  	s7 =	sadd.s32 $0x200, s7;
	v7 =	vld [tilespmem:s23+$0xF0]  }
0x7f: {  	s10 =	sadd.s32 $0x4, s10;
	v10 =	vld [tilespmem:s7+$0x80];
	v4 =	vmax.f32 v4, $0.0e+00;
	v5 =	vadd.f32 v5, v8  }
0x80: {  	p0 =	slt.u32 s10, $0x4C;
	v8 =	vld [tilespmem:s7+$0xFFFFFF00];
	v3 =	vadd.f32 v3, v9;
	[tilespmem:s9+$0xFFFFFFE0] =	vst v4  }
0x81: {  	v4 =	vld [tilespmem:s22+$0xFFFFFF80];
	v5 =	vmax.f32 v5, $0.0e+00  }
0x82: {  	v9 =	vld [tilespmem:s7+$0xFFFFFF80];
	v3 =	vmax.f32 v3, $0.0e+00;
	[tilespmem:s9+$0x60] =	vst v5  }
0x83: {  	v5 =	vld [tilespmem:s22+$0x0];
	[tilespmem:s9+$0xFFFFFF60] =	vst v3;
	v3 =	vadd.f32 v6, v7  }
0x84: {  	v6 =	vld [tilespmem:s7+$0x0];
	v7 =	vadd.f32 v10, v11  }
0x85: {  	v10 =	vld [tilespmem:s22+$0xFFFFFF00];
	v3 =	vmax.f32 v3, $0.0e+00  }
0x86: {  	v11 =	vld [tilespmem:s7+$0xFFFFFF10];
	v7 =	vmax.f32 v7, $0.0e+00;
	[tilespmem:s9+$0xF0] =	vst v3  }
0x87: {  	v3 =	vadd.f32 v9, v4;
	[tilespmem:s7+$0x80] =	vst v7;
	v4 =	vld [tilespmem:s7+$0x90]  }
0x88: {  	v7 =	vld [tilespmem:s22+$0x90]  }
0x89: {  	v3 =	vmax.f32 v3, $0.0e+00;
	v9 =	vld [tilespmem:s7+$0xFFFFFF90];
	v5 =	vadd.f32 v6, v5  }
0x8a: {  	v6 =	vadd.f32 v8, v10;
	[tilespmem:s7+$0xFFFFFF80] =	vst v3;
	v3 =	vld [tilespmem:s7+$0x10]  }
0x8b: {  	v8 =	vld [tilespmem:s22+$0xFFFFFF90];
	v5 =	vmax.f32 v5, $0.0e+00  }
0x8c: {  	v6 =	vmax.f32 v6, $0.0e+00;
	v10 =	vld [tilespmem:s7+$0xFFFFFF20];
	[tilespmem:s7+$0x0] =	vst v5  }
0x8d: {  	[tilespmem:s7+$0xFFFFFF00] =	vst v6;
	v5 =	vld [tilespmem:s22+$0x10];
	v4 =	vadd.f32 v4, v7  }
0x8e: {  	v6 =	vld [tilespmem:s22+$0xFFFFFF10]  }
0x8f: {  	v7 =	vld [tilespmem:s7+$0xFFFFFFA0];
	v4 =	vmax.f32 v4, $0.0e+00  }
0x90: {  	v8 =	vadd.f32 v9, v8;
	[tilespmem:s7+$0x90] =	vst v4;
	v4 =	vld [tilespmem:s7+$0xA0]  }
0x91: {  	v9 =	vld [tilespmem:s22+$0xA0]  }
0x92: {  	v8 =	vmax.f32 v8, $0.0e+00;
	v3 =	vadd.f32 v3, v5;
	v5 =	vld [tilespmem:s7+$0x20]  }
0x93: {  	v6 =	vadd.f32 v11, v6;
	v11 =	vld [tilespmem:s7+$0xFFFFFF30];
	[tilespmem:s7+$0xFFFFFF90] =	vst v8  }
0x94: {  	v8 =	vld [tilespmem:s22+$0xFFFFFFA0];
	v3 =	vmax.f32 v3, $0.0e+00  }
0x95: {  	v6 =	vmax.f32 v6, $0.0e+00;
	v12 =	vld [tilespmem:s7+$0xFFFFFFB0];
	[tilespmem:s7+$0x10] =	vst v3  }
0x96: {  	[tilespmem:s7+$0xFFFFFF10] =	vst v6;
	v3 =	vld [tilespmem:s22+$0x20];
	v4 =	vadd.f32 v4, v9  }
0x97: {  	v6 =	vld [tilespmem:s22+$0xFFFFFF20]  }
0x98: {  	v9 =	vld [tilespmem:s7+$0x30];
	v4 =	vmax.f32 v4, $0.0e+00  }
0x99: {  	v7 =	vadd.f32 v7, v8;
	[tilespmem:s7+$0xA0] =	vst v4;
	v4 =	vld [tilespmem:s7+$0xB0]  }
0x9a: {  	v8 =	vld [tilespmem:s22+$0xB0]  }
0x9b: {  	v13 =	vld [tilespmem:s7+$0xFFFFFF40];
	v7 =	vmax.f32 v7, $0.0e+00;
	v3 =	vadd.f32 v5, v3  }
0x9c: {  	v5 =	vadd.f32 v10, v6;
	[tilespmem:s7+$0xFFFFFFA0] =	vst v7;
	v6 =	vld [tilespmem:s7+$0xFFFFFFC0]  }
0x9d: {  	v7 =	vld [tilespmem:s22+$0xFFFFFFB0];
	v3 =	vmax.f32 v3, $0.0e+00  }
0x9e: {  	v5 =	vmax.f32 v5, $0.0e+00;
	[tilespmem:s7+$0x20] =	vst v3;
	v10 =	vld [tilespmem:s7+$0x40]  }
0x9f: {  	[tilespmem:s7+$0xFFFFFF20] =	vst v5;
	v3 =	vld [tilespmem:s22+$0x30];
	v4 =	vadd.f32 v4, v8  }
0xa0: {  	v5 =	vld [tilespmem:s22+$0xFFFFFF30]  }
0xa1: {  	v8 =	vld [tilespmem:s7+$0xFFFFFF50];
	v4 =	vmax.f32 v4, $0.0e+00  }
0xa2: {  	v7 =	vadd.f32 v12, v7;
	[tilespmem:s7+$0xB0] =	vst v4;
	v4 =	vld [tilespmem:s7+$0xC0]  }
0xa3: {  	v12 =	vld [tilespmem:s22+$0xC0]  }
0xa4: {  	v7 =	vmax.f32 v7, $0.0e+00;
	v14 =	vld [tilespmem:s7+$0xFFFFFFD0];
	v3 =	vadd.f32 v9, v3  }
0xa5: {  	v5 =	vadd.f32 v11, v5;
	[tilespmem:s7+$0xFFFFFFB0] =	vst v7;
	v7 =	vld [tilespmem:s7+$0x50]  }
0xa6: {  	v9 =	vld [tilespmem:s22+$0xFFFFFFC0];
	v11 =	vmax.f32 v3, $0.0e+00  }
0xa7: {  	v5 =	vmax.f32 v5, $0.0e+00;
	v3 =	vld [tilespmem:s7+$0xFFFFFF60];
	[tilespmem:s7+$0x30] =	vst v11  }
0xa8: {  	[tilespmem:s7+$0xFFFFFF30] =	vst v5;
	v5 =	vld [tilespmem:s22+$0x40];
	v11 =	vadd.f32 v4, v12  }
0xa9: {  	v12 =	vld [tilespmem:s22+$0xFFFFFF40]  }
0xaa: {  	v4 =	vld [tilespmem:s7+$0xFFFFFFE0];
	v11 =	vmax.f32 v11, $0.0e+00  }
0xab: {  	v6 =	vadd.f32 v6, v9;
	[tilespmem:s7+$0xC0] =	vst v11;
	v9 =	vld [tilespmem:s7+$0xD0]  }
0xac: {  	v11 =	vld [tilespmem:s22+$0xD0]  }
0xad: {  	v6 =	vmax.f32 v6, $0.0e+00;
	v10 =	vadd.f32 v10, v5;
	v5 =	vld [tilespmem:s7+$0x60]  }
0xae: {  	v12 =	vadd.f32 v13, v12;
	[tilespmem:s7+$0xFFFFFFC0] =	vst v6;
	v6 =	vld [tilespmem:s23+$0xFFFFFF70]  }
0xaf: {  	v13 =	vld [tilespmem:s22+$0xFFFFFFD0];
	v10 =	vmax.f32 v10, $0.0e+00  }
0xb0: {  	v12 =	vmax.f32 v12, $0.0e+00;
	[tilespmem:s7+$0x40] =	vst v10;
	v10 =	vld [tilespmem:s23+$0xFFFFFFF0]  }
0xb1: {  	[tilespmem:s7+$0xFFFFFF40] =	vst v12;
	v12 =	vld [tilespmem:s22+$0x50];
	v9 =	vadd.f32 v9, v11  }
0xb2: {  	v11 =	vld [tilespmem:s22+$0xFFFFFF50]  }
0xb3: {  	v9 =	vmax.f32 v9, $0.0e+00;
	v2 =	vadd.f32 v2, v6;
	v6 =	vld [tilespmem:s23+$0x70];
	s23 =	smov.u32 s22  }
0xb4: {  	v13 =	vadd.f32 v14, v13;
	[tilespmem:s7+$0xD0] =	vst v9;
	v9 =	vld [tilespmem:s7+$0xE0]  }
0xb5: {  	v14 =	vld [tilespmem:s22+$0xE0];
	v15 =	vmax.f32 v2, $0.0e+00;
	v10 =	vadd.f32 v1, v10  }
0xb6: {  	v2 =	vld [tilespmem:s7+$0xFFFFFF70];
	v1 =	vmax.f32 v13, $0.0e+00;
	v12 =	vadd.f32 v7, v12;
	[tilespmem:s9+$0xFFFFFF70] =	vst v15  }
0xb7: {  	v8 =	vadd.f32 v8, v11;
	[tilespmem:s7+$0xFFFFFFD0] =	vst v1;
	v1 =	vld [tilespmem:s7+$0xFFFFFFF0];
	v10 =	vmax.f32 v10, $0.0e+00  }
.Ltmp4:
0xb8: {  	v7 =	vld [tilespmem:s22+$0xFFFFFFE0];
	v11 =	vmax.f32 v12, $0.0e+00;
	[tilespmem:s9+$0xFFFFFFF0] =	vst v10;
	v6 =	vadd.f32 v0, v6;
	(pc) =	sbr.rel @p0 .LBB2_3-.Ltmp4, $4  }
0xb9: {  	v8 =	vmax.f32 v8, $0.0e+00;
	[tilespmem:s7+$0x50] =	vst v11;
	v0 =	vld [tilespmem:s7+$0x70]  }
0xba: {  	[tilespmem:s7+$0xFFFFFF50] =	vst v8;
	v8 =	vld [tilespmem:s22+$0x60];
	v10 =	vadd.f32 v9, v14;
	v6 =	vmax.f32 v6, $0.0e+00  }
0xbb: {  	v9 =	vld [tilespmem:s22+$0xFFFFFF60];
	[tilespmem:s9+$0x70] =	vst v6;
	s9 =	smov.u32 s7  }
0xbc: {  	s22 =	sadd.s32 $0x200, s22;
	v10 =	vmax.f32 v10, $0.0e+00;
	v6 =	vld [tilespmem:s7+$0xF0]  }
0xbd: {  	_ = 	snop  }
0xbe: {  	v4 =	vadd.f32 v4, v7  }
0xbf: {  	v5 =	vadd.f32 v5, v8  }
0xc0: {  	[tilespmem:s7+$0xE0] =	vst v10;
	v4 =	vmax.f32 v4, $0.0e+00;
	v3 =	vadd.f32 v3, v9  }
0xc1: {  	v58 =	vld [tilespmem:s23+$0xF0];
	[tilespmem:s9+$0xFFFFFFE0] =	vst v4;
	v59 =	vmax.f32 v5, $0.0e+00  }
0xc2: {  	v61 =	vld [tilespmem:s23+$0xFFFFFFF0];
	v3 =	vmax.f32 v3, $0.0e+00;
	[tilespmem:s9+$0x60] =	vst v59  }
0xc3: {  	[tilespmem:s9+$0xFFFFFF60] =	vst v3;
	v62 =	vld [tilespmem:s23+$0x70]  }
0xc4: {  	v60 =	vld [tilespmem:s23+$0xFFFFFF70];
	_ =	sdelay $0x1  }
0xc5: {  	v6 =	vadd.f32 v6, v58  }
0xc6: {  	v1 =	vadd.f32 v1, v61  }
0xc7: {  	v63 =	vmax.f32 v6, $0.0e+00;
	v0 =	vadd.f32 v0, v62  }
0xc8: {  	[tilespmem:s9+$0xF0] =	vst v63;
	v1 =	vmax.f32 v1, $0.0e+00;
	v2 =	vadd.f32 v2, v60  }
0xc9: {  	[tilespmem:s9+$0xFFFFFFF0] =	vst v1;
	v0 =	vmax.f32 v0, $0.0e+00  }
0xca: {  	p0 =	seq.s32 s5, $0x3E;
	v2 =	vmax.f32 v2, $0.0e+00;
	[tilespmem:s9+$0x70] =	vst v0  }
.Ltmp5:
0xcb: {  	[tilespmem:s9+$0xFFFFFF70] =	vst v2;
	(pc) =	sbr.rel @p0 .LBB2_10-.Ltmp5, $4  }
0xcc: {  	[spmem:s3] =	stream.indirect.scatter.add.f32 [tilespmem:s21], [sflag:$0x5], $0x80, s28, s19, $0xb8;
	[tilespmem:$0x1DE00] =	vst v63  }
0xcd: {  	_ =	swait.ge [sflag:s17], $0x2800  }
0xce: {  	[sflag:s17] =	ssyncset.done $0x0  }
0xcf: {  	[sflag:s17] =	ssyncadd.s32 $0xFFFFD800  }
0xd0: {  	s7 =	sshll.u32 s5, $0x1  }
0xd1: {  	s7 =	sadd.s32 s7, s13  }
0xd2: {  	s9 =	sshll.u32 s7, $0x5  }
0xd3: {  	s9 =	sand.u32 $0x1FFFFFE0, s9  }
0xd4: {  	s23 =	sshllo.u32 s5, $0x1;
	s9 =	sadd.s32 s2, s9  }
0xd5: {  	[tilespmem:s18], [sflag:$0x5] =	stream.linear.gather [hbm4b:s9+s4], $0x100, $0x38;
	[tilespmem:$0x1DE00] =	vst v63  }
0xd6: {  	p0 =	sgt.u32 s23, $0x7C;
	_ =	swait.ge [sflag:s17], $0x100  }
.Ltmp6:
0xd7: {  	[sflag:s17] =	ssyncset.done $0x0;
	(pc) =	sbr.rel @p0 .LBB2_9-.Ltmp6, $4  }
0xd8: {  	s7 =	smul.u32 $0x500, s7;
	[sflag:s17] =	ssyncadd.s32 $0xFFFFFF00  }
0xd9: {  	[tilespmem:s20], [sflag:$0x1] =	stream.indirect.gather [hbm4b:s1+s19], $0x80, s18, s19, $0xb8;
	[tilespmem:$0x1DE00] =	vst v63  }
0xda: {  	s7 =	sadd.s32 s6, s7  }
0xdb: {  	[tilespmem:s21], [sflag:$0x3] =	stream.linear.gather [hbm4b:s7+s4], $0x2800, $0x38;
	[tilespmem:$0x1DE00] =	vst v63  }
0xdc: {  	_ =	swait.ge [sflag:s29], $0x2800  }
0xdd: {  	[sflag:s29] =	ssyncset.done $0x0  }
0xde: {  	[sflag:s29] =	ssyncadd.s32 $0xFFFFD800  }
0xdf: {  	_ =	swait.ge [sflag:s30], $0x2800  }
0xe0: {  	[sflag:s30] =	ssyncset.done $0x0  }
0xe1: {  	s7 =	simm.s32 $0x1B7F0;
	[sflag:s30] =	ssyncadd.s32 $0xFFFFD800  }
0xe2: {  	s9 =	simm.s32 $0x167F0;
	v0 =	vld [tilespmem:s7+$0xFFFFFF90]  }
0xe3: {  	v1 =	vld [tilespmem:s9+$0xFFFFFF90]  }
0xe4: {  	v2 =	vld [tilespmem:s9+$0xFFFFFE10]  }
0xe5: {  	v3 =	vld [tilespmem:s7+$0xFFFFFE90]  }
0xe6: {  	v4 =	vld [tilespmem:s9+$0xFFFFFE90]  }
0xe7: {  	v5 =	vld [tilespmem:s9+$0xFFFFFF10]  }
0xe8: {  	v0 =	vadd.f32 v1, v0;
	v1 =	vld [tilespmem:s7+$0xFFFFFF10]  }
0xe9: {  	v6 =	vld [tilespmem:s7+$0xFFFFFE10]  }
0xea: {  	v0 =	vmax.f32 v0, $0.0e+00  }
0xeb: {  	v3 =	vadd.f32 v4, v3;
	[tilespmem:s9+$0xFFFFFF90] =	vst v0;
	v0 =	vld [tilespmem:s9+$0xFFFFFFA0]  }
0xec: {  	v7 =	vld [tilespmem:s7+$0xFFFFFFA0]  }
0xed: {  	v8 =	vld [tilespmem:s9+$0xFFFFFEA0];
	v3 =	vmax.f32 v3, $0.0e+00;
	v1 =	vadd.f32 v5, v1  }
0xee: {  	v4 =	vld [tilespmem:s9+$0xFFFFFE20];
	v2 =	vadd.f32 v2, v6;
	[tilespmem:s9+$0xFFFFFE90] =	vst v3  }
0xef: {  	v5 =	vld [tilespmem:s7+$0xFFFFFEA0];
	v1 =	vmax.f32 v1, $0.0e+00  }
0xf0: {  	v2 =	vmax.f32 v2, $0.0e+00;
	v3 =	vld [tilespmem:s9+$0xFFFFFF20];
	[tilespmem:s9+$0xFFFFFF10] =	vst v1  }
0xf1: {  	[tilespmem:s9+$0xFFFFFE10] =	vst v2;
	v0 =	vadd.f32 v0, v7;
	v1 =	vld [tilespmem:s7+$0xFFFFFF20]  }
0xf2: {  	v2 =	vld [tilespmem:s7+$0xFFFFFE20]  }
0xf3: {  	v0 =	vmax.f32 v0, $0.0e+00  }
0xf4: {  	v5 =	vadd.f32 v8, v5;
	[tilespmem:s9+$0xFFFFFFA0] =	vst v0;
	v0 =	vld [tilespmem:s9+$0xFFFFFFB0]  }
0xf5: {  	v7 =	vld [tilespmem:s7+$0xFFFFFFB0]  }
0xf6: {  	v6 =	vld [tilespmem:s9+$0xFFFFFE30];
	v5 =	vmax.f32 v5, $0.0e+00;
	v1 =	vadd.f32 v3, v1  }
0xf7: {  	v2 =	vadd.f32 v4, v2;
	v8 =	vld [tilespmem:s9+$0xFFFFFEB0];
	[tilespmem:s9+$0xFFFFFEA0] =	vst v5  }
0xf8: {  	v4 =	vld [tilespmem:s7+$0xFFFFFEB0];
	v1 =	vmax.f32 v1, $0.0e+00  }
0xf9: {  	v2 =	vmax.f32 v2, $0.0e+00;
	v3 =	vld [tilespmem:s9+$0xFFFFFF30];
	[tilespmem:s9+$0xFFFFFF20] =	vst v1  }
0xfa: {  	[tilespmem:s9+$0xFFFFFE20] =	vst v2;
	v0 =	vadd.f32 v0, v7;
	v1 =	vld [tilespmem:s7+$0xFFFFFF30]  }
0xfb: {  	v2 =	vld [tilespmem:s7+$0xFFFFFE30]  }
0xfc: {  	v0 =	vmax.f32 v0, $0.0e+00  }
0xfd: {  	v4 =	vadd.f32 v8, v4;
	[tilespmem:s9+$0xFFFFFFB0] =	vst v0;
	v0 =	vld [tilespmem:s9+$0xFFFFFFC0]  }
0xfe: {  	v7 =	vld [tilespmem:s7+$0xFFFFFFC0]  }
0xff: {  	v9 =	vld [tilespmem:s9+$0xFFFFFF40];
	v4 =	vmax.f32 v4, $0.0e+00;
	v1 =	vadd.f32 v3, v1  }
0x100: {  	v2 =	vadd.f32 v6, v2;
	v8 =	vld [tilespmem:s9+$0xFFFFFEC0];
	[tilespmem:s9+$0xFFFFFEB0] =	vst v4  }
0x101: {  	v3 =	vld [tilespmem:s7+$0xFFFFFEC0];
	v1 =	vmax.f32 v1, $0.0e+00  }
0x102: {  	v5 =	vld [tilespmem:s9+$0xFFFFFE40];
	[tilespmem:s9+$0xFFFFFF30] =	vst v1;
	v1 =	vmax.f32 v2, $0.0e+00  }
0x103: {  	v0 =	vadd.f32 v0, v7;
	[tilespmem:s9+$0xFFFFFE30] =	vst v1;
	v1 =	vld [tilespmem:s7+$0xFFFFFF40]  }
0x104: {  	v6 =	vld [tilespmem:s7+$0xFFFFFE40]  }
0x105: {  	v10 =	vld [tilespmem:s9+$0xFFFFFE50];
	v0 =	vmax.f32 v0, $0.0e+00  }
0x106: {  	v3 =	vadd.f32 v8, v3;
	[tilespmem:s9+$0xFFFFFFC0] =	vst v0;
	v0 =	vld [tilespmem:s9+$0xFFFFFFD0]  }
0x107: {  	v7 =	vld [tilespmem:s7+$0xFFFFFFD0]  }
0x108: {  	v11 =	vld [tilespmem:s9+$0xFFFFFEE0];
	v3 =	vmax.f32 v3, $0.0e+00;
	v1 =	vadd.f32 v9, v1  }
0x109: {  	v4 =	vld [tilespmem:s9+$0xFFFFFED0];
	[tilespmem:s9+$0xFFFFFEC0] =	vst v3;
	v5 =	vadd.f32 v5, v6  }
0x10a: {  	v6 =	vld [tilespmem:s7+$0xFFFFFED0];
	v1 =	vmax.f32 v1, $0.0e+00  }
0x10b: {  	v2 =	vld [tilespmem:s9+$0xFFFFFF50];
	[tilespmem:s9+$0xFFFFFF40] =	vst v1;
	v1 =	vmax.f32 v5, $0.0e+00  }
0x10c: {  	v0 =	vadd.f32 v0, v7;
	v5 =	vld [tilespmem:s7+$0xFFFFFF50];
	[tilespmem:s9+$0xFFFFFE40] =	vst v1  }
0x10d: {  	v1 =	vld [tilespmem:s7+$0xFFFFFE50]  }
0x10e: {  	v8 =	vld [tilespmem:s9+$0xFFFFFE60];
	v0 =	vmax.f32 v0, $0.0e+00  }
0x10f: {  	[tilespmem:s9+$0xFFFFFFD0] =	vst v0;
	v0 =	vadd.f32 v4, v6;
	v6 =	vld [tilespmem:s9+$0xFFFFFFE0]  }
0x110: {  	v7 =	vld [tilespmem:s7+$0xFFFFFFE0]  }
0x111: {  	v3 =	vld [tilespmem:s9+$0xFFFFFE70];
	v0 =	vmax.f32 v0, $0.0e+00;
	v2 =	vadd.f32 v2, v5  }
0x112: {  	v9 =	vld [tilespmem:s9+$0xFFFFFF60];
	[tilespmem:s9+$0xFFFFFED0] =	vst v0;
	v0 =	vadd.f32 v10, v1  }
0x113: {  	v1 =	vld [tilespmem:s7+$0xFFFFFEE0];
	v2 =	vmax.f32 v2, $0.0e+00  }
0x114: {  	v4 =	vld [tilespmem:s9+$0xFFFFFEF0];
	[tilespmem:s9+$0xFFFFFF50] =	vst v2;
	v0 =	vmax.f32 v0, $0.0e+00  }
0x115: {  	v2 =	vld [tilespmem:s7+$0xFFFFFF60];
	v6 =	vadd.f32 v6, v7;
	[tilespmem:s9+$0xFFFFFE50] =	vst v0  }
0x116: {  	v0 =	vld [tilespmem:s7+$0xFFFFFE60]  }
0x117: {  	v5 =	vld [tilespmem:s9+$0xFFFFFF70];
	v6 =	vmax.f32 v6, $0.0e+00  }
0x118: {  	v1 =	vadd.f32 v11, v1;
	[tilespmem:s9+$0xFFFFFFE0] =	vst v6;
	v6 =	vld [tilespmem:s9+$0xFFFFFFF0]  }
0x119: {  	v10 =	vld [tilespmem:s7+$0xFFFFFFF0]  }
0x11a: {  	v1 =	vmax.f32 v1, $0.0e+00;
	v7 =	vadd.f32 v9, v2;
	v2 =	vld [tilespmem:s9+$0xFFFFFE80]  }
0x11b: {  	[tilespmem:s9+$0xFFFFFEE0] =	vst v1;
	v0 =	vadd.f32 v8, v0;
	v1 =	vld [tilespmem:s9+$0xFFFFFF00]  }
0x11c: {  	v8 =	vmax.f32 v7, $0.0e+00;
	v7 =	vld [tilespmem:s7+$0xFFFFFEF0]  }
0x11d: {  	[tilespmem:s9+$0xFFFFFF60] =	vst v8;
	v8 =	vmax.f32 v0, $0.0e+00;
	v0 =	vld [tilespmem:s9+$0xFFFFFF80]  }
0x11e: {  	[tilespmem:s9+$0xFFFFFE60] =	vst v8;
	v8 =	vld [tilespmem:s7+$0xFFFFFF70];
	v6 =	vadd.f32 v6, v10  }
0x11f: {  	v9 =	vld [tilespmem:s7+$0xFFFFFE70]  }
0x120: {  	s22 =	simm.s32 $0x0;
	s11 =	simm.s32 $0x1B9F0;
	s10 =	simm.s32 $0x167F0;
	v10 =	vmax.f32 v6, $0.0e+00;
	v6 =	vld [tilespmem:s9+$0x0]  }
.LBB2_7:
0x121: {  	v11 =	vld [tilespmem:s11+$0xFFFFFF90];
	v4 =	vadd.f32 v4, v7;
	[tilespmem:s9+$0xFFFFFFF0] =	vst v10  }
0x122: {  	s9 =	sadd.s32 $0x200, s9;
	v7 =	vld [tilespmem:s7+$0x0]  }
0x123: {  	s22 =	sadd.s32 $0x4, s22;
	v10 =	vld [tilespmem:s9+$0xFFFFFF90];
	v4 =	vmax.f32 v4, $0.0e+00;
	v5 =	vadd.f32 v5, v8  }
0x124: {  	p0 =	slt.u32 s22, $0x4C;
	v8 =	vld [tilespmem:s9+$0xFFFFFE10];
	v3 =	vadd.f32 v3, v9;
	[tilespmem:s10+$0xFFFFFEF0] =	vst v4  }
0x125: {  	v4 =	vld [tilespmem:s11+$0xFFFFFE90];
	v5 =	vmax.f32 v5, $0.0e+00  }
0x126: {  	v9 =	vld [tilespmem:s9+$0xFFFFFE90];
	v3 =	vmax.f32 v3, $0.0e+00;
	[tilespmem:s10+$0xFFFFFF70] =	vst v5  }
0x127: {  	v5 =	vld [tilespmem:s11+$0xFFFFFF10];
	[tilespmem:s10+$0xFFFFFE70] =	vst v3;
	v3 =	vadd.f32 v6, v7  }
0x128: {  	v6 =	vld [tilespmem:s9+$0xFFFFFF10];
	v7 =	vadd.f32 v10, v11  }
0x129: {  	v10 =	vld [tilespmem:s11+$0xFFFFFE10];
	v3 =	vmax.f32 v3, $0.0e+00  }
0x12a: {  	v11 =	vld [tilespmem:s9+$0xFFFFFE20];
	v7 =	vmax.f32 v7, $0.0e+00;
	[tilespmem:s10+$0x0] =	vst v3  }
0x12b: {  	v3 =	vadd.f32 v9, v4;
	[tilespmem:s9+$0xFFFFFF90] =	vst v7;
	v4 =	vld [tilespmem:s9+$0xFFFFFFA0]  }
0x12c: {  	v7 =	vld [tilespmem:s11+$0xFFFFFFA0]  }
0x12d: {  	v3 =	vmax.f32 v3, $0.0e+00;
	v9 =	vld [tilespmem:s9+$0xFFFFFEA0];
	v5 =	vadd.f32 v6, v5  }
0x12e: {  	v6 =	vadd.f32 v8, v10;
	[tilespmem:s9+$0xFFFFFE90] =	vst v3;
	v3 =	vld [tilespmem:s9+$0xFFFFFF20]  }
0x12f: {  	v8 =	vld [tilespmem:s11+$0xFFFFFEA0];
	v5 =	vmax.f32 v5, $0.0e+00  }
0x130: {  	v6 =	vmax.f32 v6, $0.0e+00;
	v10 =	vld [tilespmem:s9+$0xFFFFFE30];
	[tilespmem:s9+$0xFFFFFF10] =	vst v5  }
0x131: {  	[tilespmem:s9+$0xFFFFFE10] =	vst v6;
	v5 =	vld [tilespmem:s11+$0xFFFFFF20];
	v4 =	vadd.f32 v4, v7  }
0x132: {  	v6 =	vld [tilespmem:s11+$0xFFFFFE20]  }
0x133: {  	v7 =	vld [tilespmem:s9+$0xFFFFFEB0];
	v4 =	vmax.f32 v4, $0.0e+00  }
0x134: {  	v8 =	vadd.f32 v9, v8;
	[tilespmem:s9+$0xFFFFFFA0] =	vst v4;
	v4 =	vld [tilespmem:s9+$0xFFFFFFB0]  }
0x135: {  	v9 =	vld [tilespmem:s11+$0xFFFFFFB0]  }
0x136: {  	v8 =	vmax.f32 v8, $0.0e+00;
	v3 =	vadd.f32 v3, v5;
	v5 =	vld [tilespmem:s9+$0xFFFFFF30]  }
0x137: {  	v6 =	vadd.f32 v11, v6;
	v11 =	vld [tilespmem:s9+$0xFFFFFE40];
	[tilespmem:s9+$0xFFFFFEA0] =	vst v8  }
0x138: {  	v8 =	vld [tilespmem:s11+$0xFFFFFEB0];
	v3 =	vmax.f32 v3, $0.0e+00  }
0x139: {  	v6 =	vmax.f32 v6, $0.0e+00;
	v12 =	vld [tilespmem:s9+$0xFFFFFEC0];
	[tilespmem:s9+$0xFFFFFF20] =	vst v3  }
0x13a: {  	[tilespmem:s9+$0xFFFFFE20] =	vst v6;
	v3 =	vld [tilespmem:s11+$0xFFFFFF30];
	v4 =	vadd.f32 v4, v9  }
0x13b: {  	v6 =	vld [tilespmem:s11+$0xFFFFFE30]  }
0x13c: {  	v9 =	vld [tilespmem:s9+$0xFFFFFF40];
	v4 =	vmax.f32 v4, $0.0e+00  }
0x13d: {  	v7 =	vadd.f32 v7, v8;
	[tilespmem:s9+$0xFFFFFFB0] =	vst v4;
	v4 =	vld [tilespmem:s9+$0xFFFFFFC0]  }
0x13e: {  	v8 =	vld [tilespmem:s11+$0xFFFFFFC0]  }
0x13f: {  	v13 =	vld [tilespmem:s9+$0xFFFFFE50];
	v7 =	vmax.f32 v7, $0.0e+00;
	v3 =	vadd.f32 v5, v3  }
0x140: {  	v5 =	vadd.f32 v10, v6;
	[tilespmem:s9+$0xFFFFFEB0] =	vst v7;
	v6 =	vld [tilespmem:s9+$0xFFFFFED0]  }
0x141: {  	v7 =	vld [tilespmem:s11+$0xFFFFFEC0];
	v3 =	vmax.f32 v3, $0.0e+00  }
0x142: {  	v5 =	vmax.f32 v5, $0.0e+00;
	[tilespmem:s9+$0xFFFFFF30] =	vst v3;
	v10 =	vld [tilespmem:s9+$0xFFFFFF50]  }
0x143: {  	[tilespmem:s9+$0xFFFFFE30] =	vst v5;
	v3 =	vld [tilespmem:s11+$0xFFFFFF40];
	v4 =	vadd.f32 v4, v8  }
0x144: {  	v5 =	vld [tilespmem:s11+$0xFFFFFE40]  }
0x145: {  	v8 =	vld [tilespmem:s9+$0xFFFFFE60];
	v4 =	vmax.f32 v4, $0.0e+00  }
0x146: {  	v7 =	vadd.f32 v12, v7;
	[tilespmem:s9+$0xFFFFFFC0] =	vst v4;
	v4 =	vld [tilespmem:s9+$0xFFFFFFD0]  }
0x147: {  	v12 =	vld [tilespmem:s11+$0xFFFFFFD0]  }
0x148: {  	v7 =	vmax.f32 v7, $0.0e+00;
	v14 =	vld [tilespmem:s9+$0xFFFFFEE0];
	v3 =	vadd.f32 v9, v3  }
0x149: {  	v5 =	vadd.f32 v11, v5;
	[tilespmem:s9+$0xFFFFFEC0] =	vst v7;
	v7 =	vld [tilespmem:s9+$0xFFFFFF60]  }
0x14a: {  	v9 =	vld [tilespmem:s11+$0xFFFFFED0];
	v11 =	vmax.f32 v3, $0.0e+00  }
0x14b: {  	v5 =	vmax.f32 v5, $0.0e+00;
	v3 =	vld [tilespmem:s9+$0xFFFFFE70];
	[tilespmem:s9+$0xFFFFFF40] =	vst v11  }
0x14c: {  	[tilespmem:s9+$0xFFFFFE40] =	vst v5;
	v5 =	vld [tilespmem:s11+$0xFFFFFF50];
	v11 =	vadd.f32 v4, v12  }
0x14d: {  	v12 =	vld [tilespmem:s11+$0xFFFFFE50]  }
0x14e: {  	v4 =	vld [tilespmem:s9+$0xFFFFFEF0];
	v11 =	vmax.f32 v11, $0.0e+00  }
0x14f: {  	v6 =	vadd.f32 v6, v9;
	[tilespmem:s9+$0xFFFFFFD0] =	vst v11;
	v9 =	vld [tilespmem:s9+$0xFFFFFFE0]  }
0x150: {  	v11 =	vld [tilespmem:s11+$0xFFFFFFE0]  }
0x151: {  	v6 =	vmax.f32 v6, $0.0e+00;
	v10 =	vadd.f32 v10, v5;
	v5 =	vld [tilespmem:s9+$0xFFFFFF70]  }
0x152: {  	v12 =	vadd.f32 v13, v12;
	[tilespmem:s9+$0xFFFFFED0] =	vst v6;
	v6 =	vld [tilespmem:s7+$0xFFFFFE80]  }
0x153: {  	v13 =	vld [tilespmem:s11+$0xFFFFFEE0];
	v10 =	vmax.f32 v10, $0.0e+00  }
0x154: {  	v12 =	vmax.f32 v12, $0.0e+00;
	[tilespmem:s9+$0xFFFFFF50] =	vst v10;
	v10 =	vld [tilespmem:s7+$0xFFFFFF00]  }
0x155: {  	[tilespmem:s9+$0xFFFFFE50] =	vst v12;
	v12 =	vld [tilespmem:s11+$0xFFFFFF60];
	v9 =	vadd.f32 v9, v11  }
0x156: {  	v11 =	vld [tilespmem:s11+$0xFFFFFE60]  }
0x157: {  	v9 =	vmax.f32 v9, $0.0e+00;
	v2 =	vadd.f32 v2, v6;
	v6 =	vld [tilespmem:s7+$0xFFFFFF80];
	s7 =	smov.u32 s11  }
0x158: {  	v13 =	vadd.f32 v14, v13;
	[tilespmem:s9+$0xFFFFFFE0] =	vst v9;
	v9 =	vld [tilespmem:s9+$0xFFFFFFF0]  }
0x159: {  	v14 =	vld [tilespmem:s11+$0xFFFFFFF0];
	v15 =	vmax.f32 v2, $0.0e+00;
	v10 =	vadd.f32 v1, v10  }
0x15a: {  	v2 =	vld [tilespmem:s9+$0xFFFFFE80];
	v1 =	vmax.f32 v13, $0.0e+00;
	v12 =	vadd.f32 v7, v12;
	[tilespmem:s10+$0xFFFFFE80] =	vst v15  }
0x15b: {  	v8 =	vadd.f32 v8, v11;
	[tilespmem:s9+$0xFFFFFEE0] =	vst v1;
	v1 =	vld [tilespmem:s9+$0xFFFFFF00];
	v10 =	vmax.f32 v10, $0.0e+00  }
.Ltmp7:
0x15c: {  	v7 =	vld [tilespmem:s11+$0xFFFFFEF0];
	v11 =	vmax.f32 v12, $0.0e+00;
	[tilespmem:s10+$0xFFFFFF00] =	vst v10;
	v6 =	vadd.f32 v0, v6;
	(pc) =	sbr.rel @p0 .LBB2_7-.Ltmp7, $4  }
0x15d: {  	v8 =	vmax.f32 v8, $0.0e+00;
	[tilespmem:s9+$0xFFFFFF60] =	vst v11;
	v0 =	vld [tilespmem:s9+$0xFFFFFF80]  }
0x15e: {  	[tilespmem:s9+$0xFFFFFE60] =	vst v8;
	v8 =	vld [tilespmem:s11+$0xFFFFFF70];
	v10 =	vadd.f32 v9, v14;
	v6 =	vmax.f32 v6, $0.0e+00  }
0x15f: {  	v9 =	vld [tilespmem:s11+$0xFFFFFE70];
	[tilespmem:s10+$0xFFFFFF80] =	vst v6;
	s10 =	smov.u32 s9  }
0x160: {  	s11 =	sadd.s32 $0x200, s11;
	v10 =	vmax.f32 v10, $0.0e+00;
	v6 =	vld [tilespmem:s9+$0x0]  }
0x161: {  	_ = 	snop  }
0x162: {  	v4 =	vadd.f32 v4, v7  }
0x163: {  	v5 =	vadd.f32 v5, v8  }
0x164: {  	[tilespmem:s9+$0xFFFFFFF0] =	vst v10;
	v4 =	vmax.f32 v4, $0.0e+00;
	v3 =	vadd.f32 v3, v9  }
0x165: {  	v58 =	vld [tilespmem:s7+$0x0];
	[tilespmem:s10+$0xFFFFFEF0] =	vst v4;
	v59 =	vmax.f32 v5, $0.0e+00  }
0x166: {  	v61 =	vld [tilespmem:s7+$0xFFFFFF00];
	v3 =	vmax.f32 v3, $0.0e+00;
	[tilespmem:s10+$0xFFFFFF70] =	vst v59  }
0x167: {  	[tilespmem:s10+$0xFFFFFE70] =	vst v3;
	v62 =	vld [tilespmem:s7+$0xFFFFFF80]  }
0x168: {  	v60 =	vld [tilespmem:s7+$0xFFFFFE80];
	_ =	sdelay $0x1  }
0x169: {  	v6 =	vadd.f32 v6, v58  }
0x16a: {  	v1 =	vadd.f32 v1, v61  }
0x16b: {  	v63 =	vmax.f32 v6, $0.0e+00;
	v0 =	vadd.f32 v0, v62  }
0x16c: {  	[tilespmem:s10+$0x0] =	vst v63;
	v1 =	vmax.f32 v1, $0.0e+00;
	v2 =	vadd.f32 v2, v60  }
0x16d: {  	[tilespmem:s10+$0xFFFFFF00] =	vst v1;
	v0 =	vmax.f32 v0, $0.0e+00  }
0x16e: {  	p0 =	sgt.u32 s5, $0x3C;
	v2 =	vmax.f32 v2, $0.0e+00;
	[tilespmem:s10+$0xFFFFFF80] =	vst v0  }
0x16f: {  	s7 =	sadd.s32 @!p0 s23, s13;
	[tilespmem:s10+$0xFFFFFE80] =	vst v2  }
0x170: {  	[spmem:s3] =	stream.indirect.scatter.add.f32 [tilespmem:s24], [sflag:$0x5], $0x80, s31, s19, $0xb8;
	[tilespmem:$0x1DE00] =	vst v63  }
0x171: {  	s9 =	sshll.u32 @!p0 s7, $0x5;
	_ =	swait.ge [sflag:s17], $0x2800  }
0x172: {  	s11 =	simm.s32 @!p0 $0x13D00;
	s9 =	sand.u32 @!p0 $0x1FFFFFE0, s9;
	[sflag:s17] =	ssyncset.done $0x0  }
0x173: {  	s9 =	sadd.s32 @!p0 s2, s9;
	s10 =	simm.s32 @!p0 $0x0;
	[sflag:s17] =	ssyncadd.s32 $0xFFFFD800  }
0x174: {  	[tilespmem:s11], [sflag:$0x5] =	stream.linear.gather @!p0 [hbm4b:s9+s10], $0x100, $0x38;
	[tilespmem:$0x1DE00] =	vst v63  }
0x175: {  	s9 =	simm.s32 @!p0 $0x5  }
0x176: {  	_ =	swait.ge @!p0 [sflag:s9], $0x100  }
.Ltmp8:
0x177: {  	s22 =	simm.s32 @!p0 $0x1B600;
	[sflag:s9] =	ssyncset.done @!p0 $0x0;
	(pc) =	sbr.rel .LBB2_9-.Ltmp8, $4  }
0x178: {  	s7 =	smul.u32 @!p0 $0x500, s7;
	[sflag:s9] =	ssyncadd.s32 @!p0 $0xFFFFFF00;
	s9 =	simm.s32 @!p0 $0x50  }
0x179: {  	[tilespmem:s22], [sflag:$0x2] =	stream.indirect.gather @!p0 [hbm4b:s1+s9], $0x80, s11, s9, $0xb8;
	[tilespmem:$0x1DE00] =	vst v63  }
0x17a: {  	s7 =	sadd.s32 @!p0 s6, s7;
	s9 =	simm.s32 @!p0 $0x16600  }
0x17b: {  	[tilespmem:s9], [sflag:$0x4] =	stream.linear.gather @!p0 [hbm4b:s7+s10], $0x2800, $0x38;
	[tilespmem:$0x1DE00] =	vst v63  }
.LBB2_11:
0x17c: {  	_ =	sfence.sel $0x180000  }
0x17d: {  	[bflag:$0x0] =	sbarrier.arrive $0xFFFF  }
0x17e: {  	_ =	strace $0x90000047  }
0x17f: {  	s0 =	stileid.u32;
	[bflag:$0x2] =	sbarrier.arrive $0xFFFF  }
0x180: {  	p0 =	sne.s32 s0, $0x0;
	s0 =	rddreg [dreg:$0x4]  }
0x181: {  	s0 =	sadd.s32 @!p0 $0x100000, s0  }
0x182: {  	[sflag:s0] =	ssyncadd.tile.s32 @!p0 $0x1;
	_ =	shalt  }
.Lfunc_end2:
_tile_overlayer_lowered:
.L_overlay_start_2:
0x183: {  	(tag) =	ssettag $0x2  }
0x184: {  	s0 =	rddreg [dreg:$0x0];
	s2 =	stileid.u32  }
0x185: {  	s1 =	rddreg [dreg:$0x1];
	p0 =	sne.s32 s2, $0x0  }
0x186: {  	s3 =	rddreg [dreg:$0x2];
	[bflag:$0x3] =	sbarrier.arrive $0xFFFF;
	s2 =	simm.s32 @!p0 $0x1C05  }
0x187: {  	[timem:s3], [sflag:s2] =	dma.local @!p0 [hbm:s0], s1  }
0x188: {  	s0 =	simm.s32 @!p0 $0x5  }
0x189: {  	_ =	swait.ge @!p0 [sflag:s0], s1  }
0x18a: {  	s1 =	ssub.s32 @!p0 $0x0, s1;
	[sflag:s0] =	ssyncset.done @!p0 $0x0  }
0x18b: {  	[sflag:s0] =	ssyncadd.s32 @!p0 s1  }
0x18c: {  	[bflag:$0x3] =	sbarrier.arrive $0xFFFF  }
0x18d: {  	_ =	shalt  }

</sc_bundles>
